<compile_context>
chip_gen: v7x
topology: tpu7x:2x2x1
jax: 0.10.2.dev20260603
libtpu: 0.0.44.dev20260713+nightly
codegen_flags: <defaults>
</compile_context>

<pallas_src>
import functools

import jax
import jax.numpy as jnp
from jax import lax
from jax.experimental import pallas as pl
from jax.experimental.pallas import tpu as pltpu
from jax.experimental.pallas import tpu_sc as plsc

_K = 16
_D = 16
_DAUG = 24
_BK = 8192
_NB = 13
_KPAD = _NB * _BK
_QB = 128
_NCOL = 1024
_BIG = 1e30
_NW = 32


def _stage1_kernel(qe_ref, ke_ref, w_ref, idx_ref, m1, m2, m3, m4):
    kb = pl.program_id(1)

    @pl.when(kb == 0)
    def _init():
        big = jnp.full((_QB, _NCOL), _BIG, jnp.float32)
        m1[...] = big
        m2[...] = big
        m3[...] = big
        m4[...] = big

    s = ke_ref[16:17, :] + lax.dot_general(
        qe_ref[...].astype(jnp.bfloat16), ke_ref[...].astype(jnp.bfloat16),
        (((1,), (0,)), ((), ())),
        preferred_element_type=jnp.float32)
    sp = lax.bitcast_convert_type(s, jnp.int32)
    nh = _BK // _NCOL
    for h in range(nh):
        sh = lax.bitcast_convert_type(
            jnp.bitwise_or(
                jnp.bitwise_and(sp[:, h * _NCOL:(h + 1) * _NCOL], -128),
                nh * kb + h),
            jnp.float32)
        a1 = m1[...]
        a2 = m2[...]
        a3 = m3[...]
        a4 = m4[...]
        u1 = sh < a1
        u2 = sh < a2
        u3 = sh < a3
        u4 = sh < a4
        m4[...] = jnp.where(u4, jnp.where(u3, a3, sh), a4)
        m3[...] = jnp.where(u3, jnp.where(u2, a2, sh), a3)
        m2[...] = jnp.where(u2, jnp.where(u1, a1, sh), a2)
        m1[...] = jnp.where(u1, sh, a1)

    @pl.when(kb == _NB - 1)
    def _extract():
        a1 = m1[...]
        a2 = m2[...]
        a3 = m3[...]
        a4 = m4[...]
        qneg2 = qe_ref[...][:, :_D]
        qsq = 0.25 * jnp.sum(qneg2 * qneg2, axis=1, keepdims=True)
        lanei = lax.broadcasted_iota(jnp.int32, (_QB, _NCOL), 1)
        ec = jnp.zeros((_QB, _NCOL), jnp.int32)
        for r in range(_K):
            h = jnp.where(ec == 0, a1,
                jnp.where(ec == 1, a2,
                jnp.where(ec == 2, a3,
                jnp.where(ec == 3, a4, _BIG))))
            rm = jnp.min(h, axis=1, keepdims=True)
            cstar = jnp.min(jnp.where(h == rm, lanei, _NCOL), axis=1,
                            keepdims=True)
            oh = lanei == cstar
            bits = lax.bitcast_convert_type(rm, jnp.int32)
            row = jnp.bitwise_and(bits, 127)
            val = lax.bitcast_convert_type(
                jnp.bitwise_and(bits, -128), jnp.float32)
            w_ref[:, r:r + 1] = jnp.exp(-0.5 * (val + qsq))
            idx_ref[:, r:r + 1] = row * _NCOL + cstar
            ec = ec + oh.astype(jnp.int32)


def _stage1(qe, ke):
    nqb = qe.shape[0] // _QB
    return pl.pallas_call(
        _stage1_kernel,
        grid=(nqb, _NB),
        in_specs=[
            pl.BlockSpec((_QB, _DAUG), lambda qb, kb: (qb, 0)),
            pl.BlockSpec((_DAUG, _BK), lambda qb, kb: (0, kb)),
        ],
        out_specs=[
            pl.BlockSpec((_QB, _K), lambda qb, kb: (qb, 0)),
            pl.BlockSpec((_QB, _K), lambda qb, kb: (qb, 0)),
        ],
        out_shape=[
            jax.ShapeDtypeStruct((qe.shape[0], _K), jnp.float32),
            jax.ShapeDtypeStruct((qe.shape[0], _K), jnp.int32),
        ],
        scratch_shapes=[pltpu.VMEM((_QB, _NCOL), jnp.float32)] * 4,
        compiler_params=pltpu.CompilerParams(
            dimension_semantics=("parallel", "arbitrary")),
    )(qe, ke)


def _stage2(alpha, idx_flat, w2):
    nq = idx_flat.shape[0] // _K
    nc = alpha.shape[1]
    qpw = nq // _NW
    rpw = qpw * _K
    mesh = plsc.VectorSubcoreMesh(core_axis_name="c", subcore_axis_name="s")

    @functools.partial(
        pl.kernel, mesh=mesh,
        out_type=jax.ShapeDtypeStruct((nq * nc,), jnp.float32),
        compiler_params=pltpu.CompilerParams(use_tc_tiling_on_sc=False),
        scratch_types=[
            pltpu.VMEM((rpw,), jnp.int32),
            pltpu.VMEM((rpw, 16), jnp.float32),
            pltpu.VMEM((rpw, nc), jnp.float32),
            pltpu.VMEM((qpw * nc,), jnp.float32),
            pltpu.SemaphoreType.DMA,
        ],
    )
    def sc_kernel(alpha_hbm, idx_hbm, w2_hbm, out_hbm,
                  idx_v, w2_v, rows_v, out_v, sem):
        wid = lax.axis_index("s") * 2 + lax.axis_index("c")
        rbase = wid * rpw
        pltpu.sync_copy(idx_hbm.at[pl.ds(rbase, rpw)], idx_v)
        pltpu.sync_copy(w2_hbm.at[pl.ds(rbase, rpw)], w2_v)
        pltpu.async_copy(alpha_hbm.at[idx_v], rows_v, sem).wait()

        def qloop(qi, carry):
            def jloop(j, accs):
                r = qi * _K + j
                wj = w2_v[r]
                return tuple(
                    accs[c] + wj * rows_v[r, pl.ds(c * 16, 16)]
                    for c in range(nc // 16))

            accs = lax.fori_loop(
                0, _K, jloop,
                tuple(jnp.zeros((16,), jnp.float32)
                      for _ in range(nc // 16)))
            for c in range(nc // 16):
                out_v[pl.ds(qi * nc + c * 16, 16)] = accs[c]
            return carry

        lax.fori_loop(0, qpw, qloop, 0)
        pltpu.sync_copy(out_v, out_hbm.at[pl.ds(wid * qpw * nc, qpw * nc)])

    return sc_kernel(alpha, idx_flat, w2)


def kernel(queries, keys, alpha):
    nq, d = queries.shape
    nk = keys.shape[0]
    nc = alpha.shape[1]
    f32 = jnp.float32
    qe = jnp.concatenate(
        [-2.0 * queries, jnp.zeros((nq, _DAUG - d), f32)], axis=1)
    ksq = jnp.sum(keys * keys, axis=1)
    kp = jnp.concatenate(
        [keys, ksq[:, None], jnp.zeros((nk, _DAUG - d - 1), f32)], axis=1)
    pad = jnp.zeros((_KPAD - nk, _DAUG), f32).at[:, d].set(_BIG)
    ke = jnp.concatenate([kp, pad], axis=0).T
    w, idx = _stage1(qe, ke)
    w2 = jnp.broadcast_to(w.reshape(-1)[:, None], (nq * _K, 16))
    out_flat = _stage2(alpha, idx.reshape(-1), w2)
    return out_flat.reshape(nq, nc).T

# --- scband reference (transcript-rebuilt; emitter-appended) ---
"""Pipeline reference for scband-knn-expansion-30829275251161 (READ-ONLY COPY).

The authoritative reference and input builder live on the scoring server;
editing this copy changes nothing except your own understanding.
"""

import jax, jax.numpy as jnp
import numpy as np

SIGMA = 1.0
K_NEIGHBORS = 16

def setup_inputs(seed: int = 0) -> dict:
    key = jax.random.key(seed)
    k1, k2, k3 = jax.random.split(key, 3)
    queries = jax.random.normal(k1, (1024, 16), dtype=jnp.float32)
    keys = jax.random.normal(k2, (100000, 16), dtype=jnp.float32)
    alpha = jax.random.normal(k3, (100000, 64), dtype=jnp.float32)
    return {"queries": queries, "keys": keys, "alpha": alpha}

def reference(queries, keys, alpha):
    # knn.search(x, k): brute-force L2 search over the key set
    q_sq = jnp.sum(queries * queries, axis=1, keepdims=True)      # [Q, 1]
    k_sq = jnp.sum(keys * keys, axis=1)                            # [K]
    d2 = q_sq + k_sq[None, :] - 2.0 * (queries @ keys.T)           # [Q, K] squared L2 distances
    neg_d, idx = jax.lax.top_k(-d2, K_NEIGHBORS)                   # smallest-k distances
    d = -neg_d                                                     # [Q, k]
    # alpha_[i].permute(2, 0, 1) -> [C, Q, k]
    a = alpha[idx]                                                 # [Q, k, C] gather
    a = jnp.transpose(a, (2, 0, 1))                                # [C, Q, k]
    w = jnp.exp(-0.5 * d / (SIGMA ** 2))                           # [Q, k]
    out = jnp.sum(a * w[None, :, :], axis=2)                       # [C, Q]
    return out

if __name__ == "__main__":
    import jax
    _d = setup_inputs()
    print(jax.jit(kernel)(*tuple(_d.values())))

</pallas_src>

<mosaic_0001>
#map = affine_map<(d0, d1) -> (0, 0)>
#map1 = affine_map<(d0, d1) -> (0)>
module attributes {stable_mosaic.version = 14 : i64} {
  func.func @sc_kernel(%arg0: i32, %arg1: i32, %arg2: memref<100000x64xf32, #tpu.memory_space<hbm>>, %arg3: memref<16384xi32, #tpu.memory_space<hbm>>, %arg4: memref<16384x16xf32, #tpu.memory_space<hbm>>, %arg5: memref<65536xf32, #tpu.memory_space<hbm>>, %arg6: memref<512xi32, #tpu.memory_space<vmem>>, %arg7: memref<512x16xf32, #tpu.memory_space<vmem>>, %arg8: memref<512x64xf32, #tpu.memory_space<vmem>>, %arg9: memref<2048xf32, #tpu.memory_space<vmem>>, %arg10: memref<!tpu.dma_semaphore, #tpu.memory_space<semaphore_mem>>) attributes {dimension_semantics = [#tpu.dimension_semantics<core_parallel>, #tpu.dimension_semantics<subcore_parallel>], iteration_bounds = array<i64: 2, 16>, scalar_prefetch = 0 : i64, scratch_operands = 5 : i64, tpu.core_type = #tpu.core_type<sc_vector_subcore>, window_params = [{transform_indices = #map}, {transform_indices = #map1}, {transform_indices = #map}, {transform_indices = #map1}]} {
    %mul3A = arith.constant 2 : i32
    %mul3A_0 = arith.muli %arg1, %mul3A : i32
    %add3A = arith.addi %mul3A_0, %arg0 : i32
    %mul3A_1 = arith.constant 512 : i32
    %mul3A_2 = arith.muli %add3A, %mul3A_1 : i32
    "tpu.region"() ({
      %run_scoped3A = tpu.sem_alloc : memref<!tpu.dma_semaphore, #tpu.memory_space<semaphore_mem>>
      %dma_start3A_16 = tpu.memref_slice %arg3[%mul3A_2] : memref<16384xi32, #tpu.memory_space<hbm>> -> memref<512xi32, #tpu.memory_space<hbm>>
      %dma_start3A_17 = tpu.memref_slice %arg3[%mul3A_2] : memref<16384xi32, #tpu.memory_space<hbm>> -> memref<512xi32, #tpu.memory_space<hbm>>
      tpu.enqueue_dma source(%dma_start3A_17 : memref<512xi32, #tpu.memory_space<hbm>>) target(%arg6 : memref<512xi32, #tpu.memory_space<vmem>>) target_semaphore(%run_scoped3A : memref<!tpu.dma_semaphore, #tpu.memory_space<semaphore_mem>>)
      %dma_wait3A_18 = tpu.memref_slice %arg3[%mul3A_2] : memref<16384xi32, #tpu.memory_space<hbm>> -> memref<512xi32, #tpu.memory_space<hbm>>
      %dma_wait3A_19 = tpu.memref_slice %arg3[%mul3A_2] : memref<16384xi32, #tpu.memory_space<hbm>> -> memref<512xi32, #tpu.memory_space<hbm>>
      tpu.wait_dma2 semaphore(%run_scoped3A : memref<!tpu.dma_semaphore, #tpu.memory_space<semaphore_mem>>) src(%dma_wait3A_19 : memref<512xi32, #tpu.memory_space<hbm>>) dst(%arg6 : memref<512xi32, #tpu.memory_space<vmem>>)
      tpu.yield
    }) : () -> ()
    "tpu.region"() ({
      %run_scoped3A = tpu.sem_alloc : memref<!tpu.dma_semaphore, #tpu.memory_space<semaphore_mem>>
      %dma_start3A_16 = arith.constant 0 : i32
      %dma_start3A_17 = tpu.memref_slice %arg4[%mul3A_2, %dma_start3A_16] : memref<16384x16xf32, #tpu.memory_space<hbm>> -> memref<512x16xf32, #tpu.memory_space<hbm>>
      %dma_start3A_18 = arith.constant 0 : i32
      %dma_start3A_19 = tpu.memref_slice %arg4[%mul3A_2, %dma_start3A_18] : memref<16384x16xf32, #tpu.memory_space<hbm>> -> memref<512x16xf32, #tpu.memory_space<hbm>>
      tpu.enqueue_dma source(%dma_start3A_19 : memref<512x16xf32, #tpu.memory_space<hbm>>) target(%arg7 : memref<512x16xf32, #tpu.memory_space<vmem>>) target_semaphore(%run_scoped3A : memref<!tpu.dma_semaphore, #tpu.memory_space<semaphore_mem>>)
      %dma_wait3A_20 = arith.constant 0 : i32
      %dma_wait3A_21 = tpu.memref_slice %arg4[%mul3A_2, %dma_wait3A_20] : memref<16384x16xf32, #tpu.memory_space<hbm>> -> memref<512x16xf32, #tpu.memory_space<hbm>>
      %dma_wait3A_22 = arith.constant 0 : i32
      %dma_wait3A_23 = tpu.memref_slice %arg4[%mul3A_2, %dma_wait3A_22] : memref<16384x16xf32, #tpu.memory_space<hbm>> -> memref<512x16xf32, #tpu.memory_space<hbm>>
      tpu.wait_dma2 semaphore(%run_scoped3A : memref<!tpu.dma_semaphore, #tpu.memory_space<semaphore_mem>>) src(%dma_wait3A_23 : memref<512x16xf32, #tpu.memory_space<hbm>>) dst(%arg7 : memref<512x16xf32, #tpu.memory_space<vmem>>)
      tpu.yield
    }) : () -> ()
    %dma_start3A = arith.constant 0 : i32
    %dma_start3A_3 = arith.constant 0 : i32
    %dma_start3A_4 = tpu.memref_slice %arg2[%dma_start3A, %dma_start3A_3] : memref<100000x64xf32, #tpu.memory_space<hbm>> -> memref<100000x64xf32, #tpu.memory_space<hbm>>
    tpu.enqueue_indirect_dma source(%dma_start3A_4 : memref<100000x64xf32, #tpu.memory_space<hbm>>) target(%arg8 : memref<512x64xf32, #tpu.memory_space<vmem>>) offsets(%arg6 : memref<512xi32, #tpu.memory_space<vmem>>) semaphore(%arg10 : memref<!tpu.dma_semaphore, #tpu.memory_space<semaphore_mem>>)
    %dma_wait3A = arith.constant 0 : i32
    %dma_wait3A_5 = arith.constant 0 : i32
    %dma_wait3A_6 = tpu.memref_slice %arg2[%dma_wait3A, %dma_wait3A_5] : memref<100000x64xf32, #tpu.memory_space<hbm>> -> memref<100000x64xf32, #tpu.memory_space<hbm>>
    tpu.wait_indirect_dma semaphore(%arg10 : memref<!tpu.dma_semaphore, #tpu.memory_space<semaphore_mem>>) src(%dma_wait3A_6 : memref<100000x64xf32, #tpu.memory_space<hbm>>) dst(%arg8 : memref<512x64xf32, #tpu.memory_space<vmem>>)
    %scan3A = arith.constant 0 : i32
    %scan3A_7 = arith.constant 0 : i32
    %scan3A_8 = arith.constant 32 : i32
    %scan3A_9 = arith.addi %scan3A_7, %scan3A_8 : i32
    %scan3A_10 = arith.constant 1 : i32
    scf.for %scan3A_16 = %scan3A_7 to %scan3A_9 step %scan3A_10  : i32 {
      %broadcast_in_dim3A = arith.constant 0.000000e+00 : f32
      %broadcast_in_dim3A_17 = vector.broadcast %broadcast_in_dim3A : f32 to vector<16xf32>
      %broadcast_in_dim3A_18 = arith.constant 0.000000e+00 : f32
      %broadcast_in_dim3A_19 = vector.broadcast %broadcast_in_dim3A_18 : f32 to vector<16xf32>
      %broadcast_in_dim3A_20 = arith.constant 0.000000e+00 : f32
      %broadcast_in_dim3A_21 = vector.broadcast %broadcast_in_dim3A_20 : f32 to vector<16xf32>
      %broadcast_in_dim3A_22 = arith.constant 0.000000e+00 : f32
      %broadcast_in_dim3A_23 = vector.broadcast %broadcast_in_dim3A_22 : f32 to vector<16xf32>
      %scan3A_24 = arith.constant 0 : i32
      %scan3A_25 = arith.constant 16 : i32
      %scan3A_26 = arith.addi %scan3A_24, %scan3A_25 : i32
      %scan3A_27 = arith.constant 1 : i32
      %scan3A_28:4 = scf.for %scan3A_61 = %scan3A_24 to %scan3A_26 step %scan3A_27 iter_args(%scan3A_62 = %broadcast_in_dim3A_17, %scan3A_63 = %broadcast_in_dim3A_19, %scan3A_64 = %broadcast_in_dim3A_21, %scan3A_65 = %broadcast_in_dim3A_23) -> (vector<16xf32>, vector<16xf32>, vector<16xf32>, vector<16xf32>)  : i32 {
        %mul3A_66 = arith.constant 16 : i32
        %mul3A_67 = arith.muli %scan3A_16, %mul3A_66 : i32
        %add3A_68 = arith.addi %mul3A_67, %scan3A_61 : i32
        %get3A = arith.index_cast %add3A_68 : i32 to index
        %get3A_69 = arith.constant 0 : index
        %get3A_70 = tpu.vector_load %arg7[%get3A, %get3A_69] {strides = array<i32>} : memref<512x16xf32, #tpu.memory_space<vmem>>, vector<1x16xf32>,
        %get3A_71 = vector.shape_cast %get3A_70 : vector<1x16xf32> to vector<16xf32>
        %get3A_72 = arith.index_cast %add3A_68 : i32 to index
        %get3A_73 = arith.constant 0 : index
        %get3A_74 = tpu.vector_load %arg8[%get3A_72, %get3A_73] {strides = array<i32>} : memref<512x64xf32, #tpu.memory_space<vmem>>, vector<1x16xf32>,
        %get3A_75 = vector.shape_cast %get3A_74 : vector<1x16xf32> to vector<16xf32>
        %mul3A_76 = arith.mulf %get3A_71, %get3A_75 : vector<16xf32>
        %add3A_77 = arith.addf %scan3A_62, %mul3A_76 : vector<16xf32>
        %get3A_78 = arith.index_cast %add3A_68 : i32 to index
        %get3A_79 = arith.constant 16 : index
        %get3A_80 = tpu.vector_load %arg8[%get3A_78, %get3A_79] {strides = array<i32>} : memref<512x64xf32, #tpu.memory_space<vmem>>, vector<1x16xf32>,
        %get3A_81 = vector.shape_cast %get3A_80 : vector<1x16xf32> to vector<16xf32>
        %mul3A_82 = arith.mulf %get3A_71, %get3A_81 : vector<16xf32>
        %add3A_83 = arith.addf %scan3A_63, %mul3A_82 : vector<16xf32>
        %get3A_84 = arith.index_cast %add3A_68 : i32 to index
        %get3A_85 = arith.constant 32 : index
        %get3A_86 = tpu.vector_load %arg8[%get3A_84, %get3A_85] {strides = array<i32>} : memref<512x64xf32, #tpu.memory_space<vmem>>, vector<1x16xf32>,
        %get3A_87 = vector.shape_cast %get3A_86 : vector<1x16xf32> to vector<16xf32>
        %mul3A_88 = arith.mulf %get3A_71, %get3A_87 : vector<16xf32>
        %add3A_89 = arith.addf %scan3A_64, %mul3A_88 : vector<16xf32>
        %get3A_90 = arith.index_cast %add3A_68 : i32 to index
        %get3A_91 = arith.constant 48 : index
        %get3A_92 = tpu.vector_load %arg8[%get3A_90, %get3A_91] {strides = array<i32>} : memref<512x64xf32, #tpu.memory_space<vmem>>, vector<1x16xf32>,
        %get3A_93 = vector.shape_cast %get3A_92 : vector<1x16xf32> to vector<16xf32>
        %mul3A_94 = arith.mulf %get3A_71, %get3A_93 : vector<16xf32>
        %add3A_95 = arith.addf %scan3A_65, %mul3A_94 : vector<16xf32>
        scf.yield %add3A_77, %add3A_83, %add3A_89, %add3A_95 : vector<16xf32>, vector<16xf32>, vector<16xf32>, vector<16xf32>
      }
      %scan3A_29 = arith.constant 16 : i32
      %mul3A_30 = arith.constant 64 : i32
      %mul3A_31 = arith.muli %scan3A_16, %mul3A_30 : i32
      %add3A_32 = arith.constant 0 : i32
      %add3A_33 = arith.addi %mul3A_31, %add3A_32 : i32
      %swap3A = arith.index_cast %add3A_33 : i32 to index
      %swap3A_34 = tpu.vector_load %arg9[%swap3A] {strides = array<i32>} : memref<2048xf32, #tpu.memory_space<vmem>>, vector<16xf32>,
      %swap3A_35 = vector.shape_cast %swap3A_34 : vector<16xf32> to vector<16xf32>
      %swap3A_36 = vector.shape_cast %scan3A_28#0 : vector<16xf32> to vector<16xf32>
      tpu.vector_store %arg9[%swap3A], %swap3A_36 {strides = array<i32>} : memref<2048xf32, #tpu.memory_space<vmem>>, vector<16xf32>,
      %mul3A_37 = arith.constant 64 : i32
      %mul3A_38 = arith.muli %scan3A_16, %mul3A_37 : i32
      %add3A_39 = arith.constant 16 : i32
      %add3A_40 = arith.addi %mul3A_38, %add3A_39 : i32
      %swap3A_41 = arith.index_cast %add3A_40 : i32 to index
      %swap3A_42 = tpu.vector_load %arg9[%swap3A_41] {strides = array<i32>} : memref<2048xf32, #tpu.memory_space<vmem>>, vector<16xf32>,
      %swap3A_43 = vector.shape_cast %swap3A_42 : vector<16xf32> to vector<16xf32>
      %swap3A_44 = vector.shape_cast %scan3A_28#1 : vector<16xf32> to vector<16xf32>
      tpu.vector_store %arg9[%swap3A_41], %swap3A_44 {strides = array<i32>} : memref<2048xf32, #tpu.memory_space<vmem>>, vector<16xf32>,
      %mul3A_45 = arith.constant 64 : i32
      %mul3A_46 = arith.muli %scan3A_16, %mul3A_45 : i32
      %add3A_47 = arith.constant 32 : i32
      %add3A_48 = arith.addi %mul3A_46, %add3A_47 : i32
      %swap3A_49 = arith.index_cast %add3A_48 : i32 to index
      %swap3A_50 = tpu.vector_load %arg9[%swap3A_49] {strides = array<i32>} : memref<2048xf32, #tpu.memory_space<vmem>>, vector<16xf32>,
      %swap3A_51 = vector.shape_cast %swap3A_50 : vector<16xf32> to vector<16xf32>
      %swap3A_52 = vector.shape_cast %scan3A_28#2 : vector<16xf32> to vector<16xf32>
      tpu.vector_store %arg9[%swap3A_49], %swap3A_52 {strides = array<i32>} : memref<2048xf32, #tpu.memory_space<vmem>>, vector<16xf32>,
      %mul3A_53 = arith.constant 64 : i32
      %mul3A_54 = arith.muli %scan3A_16, %mul3A_53 : i32
      %add3A_55 = arith.constant 48 : i32
      %add3A_56 = arith.addi %mul3A_54, %add3A_55 : i32
      %swap3A_57 = arith.index_cast %add3A_56 : i32 to index
      %swap3A_58 = tpu.vector_load %arg9[%swap3A_57] {strides = array<i32>} : memref<2048xf32, #tpu.memory_space<vmem>>, vector<16xf32>,
      %swap3A_59 = vector.shape_cast %swap3A_58 : vector<16xf32> to vector<16xf32>
      %swap3A_60 = vector.shape_cast %scan3A_28#3 : vector<16xf32> to vector<16xf32>
      tpu.vector_store %arg9[%swap3A_57], %swap3A_60 {strides = array<i32>} : memref<2048xf32, #tpu.memory_space<vmem>>, vector<16xf32>,
    }
    %scan3A_11 = arith.constant 32 : i32
    %mul3A_12 = arith.constant 32 : i32
    %mul3A_13 = arith.muli %add3A, %mul3A_12 : i32
    %mul3A_14 = arith.constant 64 : i32
    %mul3A_15 = arith.muli %mul3A_13, %mul3A_14 : i32
    "tpu.region"() ({
      %run_scoped3A = tpu.sem_alloc : memref<!tpu.dma_semaphore, #tpu.memory_space<semaphore_mem>>
      %dma_start3A_16 = tpu.memref_slice %arg5[%mul3A_15] : memref<65536xf32, #tpu.memory_space<hbm>> -> memref<2048xf32, #tpu.memory_space<hbm>>
      %dma_start3A_17 = tpu.memref_slice %arg5[%mul3A_15] : memref<65536xf32, #tpu.memory_space<hbm>> -> memref<2048xf32, #tpu.memory_space<hbm>>
      tpu.enqueue_dma source(%arg9 : memref<2048xf32, #tpu.memory_space<vmem>>) target(%dma_start3A_17 : memref<2048xf32, #tpu.memory_space<hbm>>) target_semaphore(%run_scoped3A : memref<!tpu.dma_semaphore, #tpu.memory_space<semaphore_mem>>)
      %dma_wait3A_18 = tpu.memref_slice %arg5[%mul3A_15] : memref<65536xf32, #tpu.memory_space<hbm>> -> memref<2048xf32, #tpu.memory_space<hbm>>
      %dma_wait3A_19 = tpu.memref_slice %arg5[%mul3A_15] : memref<65536xf32, #tpu.memory_space<hbm>> -> memref<2048xf32, #tpu.memory_space<hbm>>
      tpu.wait_dma2 semaphore(%run_scoped3A : memref<!tpu.dma_semaphore, #tpu.memory_space<semaphore_mem>>) src(%arg9 : memref<2048xf32, #tpu.memory_space<vmem>>) dst(%dma_wait3A_19 : memref<2048xf32, #tpu.memory_space<hbm>>)
      tpu.yield
    }) : () -> ()
    return
  }
}

module attributes {stable_mosaic.version = 14 : i64} {
  func.func @_stage1_kernel(%arg0: i32, %arg1: i32, %arg2: memref<128x24xf32, #tpu.memory_space<vmem>>, %arg3: memref<24x8192xf32, #tpu.memory_space<vmem>>, %arg4: memref<128x16xf32, #tpu.memory_space<vmem>>, %arg5: memref<128x16xi32, #tpu.memory_space<vmem>>, %arg6: memref<128x1024xf32, #tpu.memory_space<vmem>>, %arg7: memref<128x1024xf32, #tpu.memory_space<vmem>>, %arg8: memref<128x1024xf32, #tpu.memory_space<vmem>>, %arg9: memref<128x1024xf32, #tpu.memory_space<vmem>>) attributes {dimension_semantics = [#tpu.dimension_semantics<parallel>, #tpu.dimension_semantics<arbitrary>], iteration_bounds = array<i64: 8, 13>, scalar_prefetch = 0 : i64, scratch_operands = 4 : i64, tpu.core_type = #tpu.core_type<tc>, window_params = [{transform_indices = @transform_0, window_bounds = array<i64: 128, 24>}, {transform_indices = @transform_1, window_bounds = array<i64: 24, 8192>}, {transform_indices = @transform_2, window_bounds = array<i64: 128, 16>}, {transform_indices = @transform_3, window_bounds = array<i64: 128, 16>}]} {
    %eq3A = arith.constant 0 : i32
    %eq3A_0 = arith.cmpi eq, %arg1, %eq3A : i32
    %convert_element_type3A = arith.extui %eq3A_0 : i1 to i32
    %cond3A = arith.constant 0 : i32
    %cond3A_1 = arith.cmpi ne, %convert_element_type3A, %cond3A : i32
    scf.if %cond3A_1 {
      %broadcast_in_dim3A = arith.constant 1.000000e+30 : f32
      %broadcast_in_dim3A_380 = vector.broadcast %broadcast_in_dim3A : f32 to vector<128x1024xf32>
      %swap3A_381 = arith.constant 0 : index
      %swap3A_382 = arith.constant 0 : index
      %swap3A_383 = vector.load %arg6[%swap3A_381, %swap3A_382] : memref<128x1024xf32, #tpu.memory_space<vmem>>, vector<128x1024xf32>
      tpu.vector_store %arg6[%swap3A_381, %swap3A_382], %broadcast_in_dim3A_380 {strides = array<i32>} : memref<128x1024xf32, #tpu.memory_space<vmem>>, vector<128x1024xf32>,
      %swap3A_384 = arith.constant 0 : index
      %swap3A_385 = arith.constant 0 : index
      %swap3A_386 = vector.load %arg7[%swap3A_384, %swap3A_385] : memref<128x1024xf32, #tpu.memory_space<vmem>>, vector<128x1024xf32>
      tpu.vector_store %arg7[%swap3A_384, %swap3A_385], %broadcast_in_dim3A_380 {strides = array<i32>} : memref<128x1024xf32, #tpu.memory_space<vmem>>, vector<128x1024xf32>,
      %swap3A_387 = arith.constant 0 : index
      %swap3A_388 = arith.constant 0 : index
      %swap3A_389 = vector.load %arg8[%swap3A_387, %swap3A_388] : memref<128x1024xf32, #tpu.memory_space<vmem>>, vector<128x1024xf32>
      tpu.vector_store %arg8[%swap3A_387, %swap3A_388], %broadcast_in_dim3A_380 {strides = array<i32>} : memref<128x1024xf32, #tpu.memory_space<vmem>>, vector<128x1024xf32>,
      %swap3A_390 = arith.constant 0 : index
      %swap3A_391 = arith.constant 0 : index
      %swap3A_392 = vector.load %arg9[%swap3A_390, %swap3A_391] : memref<128x1024xf32, #tpu.memory_space<vmem>>, vector<128x1024xf32>
      tpu.vector_store %arg9[%swap3A_390, %swap3A_391], %broadcast_in_dim3A_380 {strides = array<i32>} : memref<128x1024xf32, #tpu.memory_space<vmem>>, vector<128x1024xf32>,
    } else {
    }
    %get3A = arith.constant 16 : index
    %get3A_2 = arith.constant 0 : index
    %get3A_3 = vector.load %arg3[%get3A, %get3A_2] : memref<24x8192xf32, #tpu.memory_space<vmem>>, vector<1x8192xf32>
    %get3A_4 = arith.constant 0 : index
    %get3A_5 = arith.constant 0 : index
    %get3A_6 = vector.load %arg2[%get3A_4, %get3A_5] : memref<128x24xf32, #tpu.memory_space<vmem>>, vector<128x24xf32>
    %convert_element_type3A_7 = arith.truncf %get3A_6 : vector<128x24xf32> to vector<128x24xbf16>
    %get3A_8 = arith.constant 0 : index
    %get3A_9 = arith.constant 0 : index
    %get3A_10 = vector.load %arg3[%get3A_8, %get3A_9] : memref<24x8192xf32, #tpu.memory_space<vmem>>, vector<24x8192xf32>
    %convert_element_type3A_11 = arith.truncf %get3A_10 : vector<24x8192xf32> to vector<24x8192xbf16>
    %dot_general3A = arith.constant dense<0.000000e+00> : vector<128x8192xf32>
    %dot_general3A_12 = tpu.matmul %convert_element_type3A_7, %convert_element_type3A_11, %dot_general3A {dimension_numbers = #tpu.dot_dimension_numbers<[1], [0], [0], [1], [0, 0, 1, 1], [], []>, transpose_lhs_hint = false} : vector<128x24xbf16>, vector<24x8192xbf16>, vector<128x8192xf32> -> vector<128x8192xf32>
    %add3A = vector.broadcast %get3A_3 : vector<1x8192xf32> to vector<128x8192xf32>
    %add3A_13 = arith.addf %add3A, %dot_general3A_12 : vector<128x8192xf32>
    %bitcast_convert_type3A = tpu.bitcast %add3A_13 : vector<128x8192xf32> -> vector<128x8192xi32>
    %slice3A = vector.extract_strided_slice %bitcast_convert_type3A {offsets = [0, 0], sizes = [128, 1024], strides = [1, 1]} : vector<128x8192xi32> to vector<128x1024xi32>
    %and3A = arith.constant -128 : i32
    %and3A_14 = vector.broadcast %and3A : i32 to vector<128x1024xi32>
    %and3A_15 = arith.andi %slice3A, %and3A_14 : vector<128x1024xi32>
    %mul3A = arith.constant 8 : i32
    %mul3A_16 = arith.muli %mul3A, %arg1 : i32
    %add3A_17 = arith.constant 0 : i32
    %add3A_18 = arith.addi %mul3A_16, %add3A_17 : i32
    %or3A = vector.broadcast %add3A_18 : i32 to vector<128x1024xi32>
    %or3A_19 = arith.ori %and3A_15, %or3A : vector<128x1024xi32>
    %bitcast_convert_type3A_20 = tpu.bitcast %or3A_19 : vector<128x1024xi32> -> vector<128x1024xf32>
    %get3A_21 = arith.constant 0 : index
    %get3A_22 = arith.constant 0 : index
    %get3A_23 = vector.load %arg6[%get3A_21, %get3A_22] : memref<128x1024xf32, #tpu.memory_space<vmem>>, vector<128x1024xf32>
    %get3A_24 = arith.constant 0 : index
    %get3A_25 = arith.constant 0 : index
    %get3A_26 = vector.load %arg7[%get3A_24, %get3A_25] : memref<128x1024xf32, #tpu.memory_space<vmem>>, vector<128x1024xf32>
    %get3A_27 = arith.constant 0 : index
    %get3A_28 = arith.constant 0 : index
    %get3A_29 = vector.load %arg8[%get3A_27, %get3A_28] : memref<128x1024xf32, #tpu.memory_space<vmem>>, vector<128x1024xf32>
    %get3A_30 = arith.constant 0 : index
    %get3A_31 = arith.constant 0 : index
    %get3A_32 = vector.load %arg9[%get3A_30, %get3A_31] : memref<128x1024xf32, #tpu.memory_space<vmem>>, vector<128x1024xf32>
    %lt3A = arith.cmpf olt, %bitcast_convert_type3A_20, %get3A_23 : vector<128x1024xf32>
    %lt3A_33 = arith.cmpf olt, %bitcast_convert_type3A_20, %get3A_26 : vector<128x1024xf32>
    %lt3A_34 = arith.cmpf olt, %bitcast_convert_type3A_20, %get3A_29 : vector<128x1024xf32>
    %lt3A_35 = arith.cmpf olt, %bitcast_convert_type3A_20, %get3A_32 : vector<128x1024xf32>
    %select_n3A = arith.select %lt3A_34, %get3A_29, %bitcast_convert_type3A_20 : vector<128x1024xi1>, vector<128x1024xf32>
    %select_n3A_36 = arith.select %lt3A_35, %select_n3A, %get3A_32 : vector<128x1024xi1>, vector<128x1024xf32>
    %swap3A = arith.constant 0 : index
    %swap3A_37 = arith.constant 0 : index
    %swap3A_38 = vector.load %arg9[%swap3A, %swap3A_37] : memref<128x1024xf32, #tpu.memory_space<vmem>>, vector<128x1024xf32>
    tpu.vector_store %arg9[%swap3A, %swap3A_37], %select_n3A_36 {strides = array<i32>} : memref<128x1024xf32, #tpu.memory_space<vmem>>, vector<128x1024xf32>,
    %select_n3A_39 = arith.select %lt3A_33, %get3A_26, %bitcast_convert_type3A_20 : vector<128x1024xi1>, vector<128x1024xf32>
    %select_n3A_40 = arith.select %lt3A_34, %select_n3A_39, %get3A_29 : vector<128x1024xi1>, vector<128x1024xf32>
    %swap3A_41 = arith.constant 0 : index
    %swap3A_42 = arith.constant 0 : index
    %swap3A_43 = vector.load %arg8[%swap3A_41, %swap3A_42] : memref<128x1024xf32, #tpu.memory_space<vmem>>, vector<128x1024xf32>
    tpu.vector_store %arg8[%swap3A_41, %swap3A_42], %select_n3A_40 {strides = array<i32>} : memref<128x1024xf32, #tpu.memory_space<vmem>>, vector<128x1024xf32>,
    %select_n3A_44 = arith.select %lt3A, %get3A_23, %bitcast_convert_type3A_20 : vector<128x1024xi1>, vector<128x1024xf32>
    %select_n3A_45 = arith.select %lt3A_33, %select_n3A_44, %get3A_26 : vector<128x1024xi1>, vector<128x1024xf32>
    %swap3A_46 = arith.constant 0 : index
    %swap3A_47 = arith.constant 0 : index
    %swap3A_48 = vector.load %arg7[%swap3A_46, %swap3A_47] : memref<128x1024xf32, #tpu.memory_space<vmem>>, vector<128x1024xf32>
    tpu.vector_store %arg7[%swap3A_46, %swap3A_47], %select_n3A_45 {strides = array<i32>} : memref<128x1024xf32, #tpu.memory_space<vmem>>, vector<128x1024xf32>,
    %select_n3A_49 = arith.select %lt3A, %bitcast_convert_type3A_20, %get3A_23 : vector<128x1024xi1>, vector<128x1024xf32>
    %swap3A_50 = arith.constant 0 : index
    %swap3A_51 = arith.constant 0 : index
    %swap3A_52 = vector.load %arg6[%swap3A_50, %swap3A_51] : memref<128x1024xf32, #tpu.memory_space<vmem>>, vector<128x1024xf32>
    tpu.vector_store %arg6[%swap3A_50, %swap3A_51], %select_n3A_49 {strides = array<i32>} : memref<128x1024xf32, #tpu.memory_space<vmem>>, vector<128x1024xf32>,
    %slice3A_53 = vector.extract_strided_slice %bitcast_convert_type3A {offsets = [0, 1024], sizes = [128, 1024], strides = [1, 1]} : vector<128x8192xi32> to vector<128x1024xi32>
    %and3A_54 = arith.constant -128 : i32
    %and3A_55 = vector.broadcast %and3A_54 : i32 to vector<128x1024xi32>
    %and3A_56 = arith.andi %slice3A_53, %and3A_55 : vector<128x1024xi32>
    %mul3A_57 = arith.constant 8 : i32
    %mul3A_58 = arith.muli %mul3A_57, %arg1 : i32
    %add3A_59 = arith.constant 1 : i32
    %add3A_60 = arith.addi %mul3A_58, %add3A_59 : i32
    %or3A_61 = vector.broadcast %add3A_60 : i32 to vector<128x1024xi32>
    %or3A_62 = arith.ori %and3A_56, %or3A_61 : vector<128x1024xi32>
    %bitcast_convert_type3A_63 = tpu.bitcast %or3A_62 : vector<128x1024xi32> -> vector<128x1024xf32>
    %get3A_64 = arith.constant 0 : index
    %get3A_65 = arith.constant 0 : index
    %get3A_66 = vector.load %arg6[%get3A_64, %get3A_65] : memref<128x1024xf32, #tpu.memory_space<vmem>>, vector<128x1024xf32>
    %get3A_67 = arith.constant 0 : index
    %get3A_68 = arith.constant 0 : index
    %get3A_69 = vector.load %arg7[%get3A_67, %get3A_68] : memref<128x1024xf32, #tpu.memory_space<vmem>>, vector<128x1024xf32>
    %get3A_70 = arith.constant 0 : index
    %get3A_71 = arith.constant 0 : index
    %get3A_72 = vector.load %arg8[%get3A_70, %get3A_71] : memref<128x1024xf32, #tpu.memory_space<vmem>>, vector<128x1024xf32>
    %get3A_73 = arith.constant 0 : index
    %get3A_74 = arith.constant 0 : index
    %get3A_75 = vector.load %arg9[%get3A_73, %get3A_74] : memref<128x1024xf32, #tpu.memory_space<vmem>>, vector<128x1024xf32>
    %lt3A_76 = arith.cmpf olt, %bitcast_convert_type3A_63, %get3A_66 : vector<128x1024xf32>
    %lt3A_77 = arith.cmpf olt, %bitcast_convert_type3A_63, %get3A_69 : vector<128x1024xf32>
    %lt3A_78 = arith.cmpf olt, %bitcast_convert_type3A_63, %get3A_72 : vector<128x1024xf32>
    %lt3A_79 = arith.cmpf olt, %bitcast_convert_type3A_63, %get3A_75 : vector<128x1024xf32>
    %select_n3A_80 = arith.select %lt3A_78, %get3A_72, %bitcast_convert_type3A_63 : vector<128x1024xi1>, vector<128x1024xf32>
    %select_n3A_81 = arith.select %lt3A_79, %select_n3A_80, %get3A_75 : vector<128x1024xi1>, vector<128x1024xf32>
    %swap3A_82 = arith.constant 0 : index
    %swap3A_83 = arith.constant 0 : index
    %swap3A_84 = vector.load %arg9[%swap3A_82, %swap3A_83] : memref<128x1024xf32, #tpu.memory_space<vmem>>, vector<128x1024xf32>
    tpu.vector_store %arg9[%swap3A_82, %swap3A_83], %select_n3A_81 {strides = array<i32>} : memref<128x1024xf32, #tpu.memory_space<vmem>>, vector<128x1024xf32>,
    %select_n3A_85 = arith.select %lt3A_77, %get3A_69, %bitcast_convert_type3A_63 : vector<128x1024xi1>, vector<128x1024xf32>
    %select_n3A_86 = arith.select %lt3A_78, %select_n3A_85, %get3A_72 : vector<128x1024xi1>, vector<128x1024xf32>
    %swap3A_87 = arith.constant 0 : index
    %swap3A_88 = arith.constant 0 : index
    %swap3A_89 = vector.load %arg8[%swap3A_87, %swap3A_88] : memref<128x1024xf32, #tpu.memory_space<vmem>>, vector<128x1024xf32>
    tpu.vector_store %arg8[%swap3A_87, %swap3A_88], %select_n3A_86 {strides = array<i32>} : memref<128x1024xf32, #tpu.memory_space<vmem>>, vector<128x1024xf32>,
    %select_n3A_90 = arith.select %lt3A_76, %get3A_66, %bitcast_convert_type3A_63 : vector<128x1024xi1>, vector<128x1024xf32>
    %select_n3A_91 = arith.select %lt3A_77, %select_n3A_90, %get3A_69 : vector<128x1024xi1>, vector<128x1024xf32>
    %swap3A_92 = arith.constant 0 : index
    %swap3A_93 = arith.constant 0 : index
    %swap3A_94 = vector.load %arg7[%swap3A_92, %swap3A_93] : memref<128x1024xf32, #tpu.memory_space<vmem>>, vector<128x1024xf32>
    tpu.vector_store %arg7[%swap3A_92, %swap3A_93], %select_n3A_91 {strides = array<i32>} : memref<128x1024xf32, #tpu.memory_space<vmem>>, vector<128x1024xf32>,
    %select_n3A_95 = arith.select %lt3A_76, %bitcast_convert_type3A_63, %get3A_66 : vector<128x1024xi1>, vector<128x1024xf32>
    %swap3A_96 = arith.constant 0 : index
    %swap3A_97 = arith.constant 0 : index
    %swap3A_98 = vector.load %arg6[%swap3A_96, %swap3A_97] : memref<128x1024xf32, #tpu.memory_space<vmem>>, vector<128x1024xf32>
    tpu.vector_store %arg6[%swap3A_96, %swap3A_97], %select_n3A_95 {strides = array<i32>} : memref<128x1024xf32, #tpu.memory_space<vmem>>, vector<128x1024xf32>,
    %slice3A_99 = vector.extract_strided_slice %bitcast_convert_type3A {offsets = [0, 2048], sizes = [128, 1024], strides = [1, 1]} : vector<128x8192xi32> to vector<128x1024xi32>
    %and3A_100 = arith.constant -128 : i32
    %and3A_101 = vector.broadcast %and3A_100 : i32 to vector<128x1024xi32>
    %and3A_102 = arith.andi %slice3A_99, %and3A_101 : vector<128x1024xi32>
    %mul3A_103 = arith.constant 8 : i32
    %mul3A_104 = arith.muli %mul3A_103, %arg1 : i32
    %add3A_105 = arith.constant 2 : i32
    %add3A_106 = arith.addi %mul3A_104, %add3A_105 : i32
    %or3A_107 = vector.broadcast %add3A_106 : i32 to vector<128x1024xi32>
    %or3A_108 = arith.ori %and3A_102, %or3A_107 : vector<128x1024xi32>
    %bitcast_convert_type3A_109 = tpu.bitcast %or3A_108 : vector<128x1024xi32> -> vector<128x1024xf32>
    %get3A_110 = arith.constant 0 : index
    %get3A_111 = arith.constant 0 : index
    %get3A_112 = vector.load %arg6[%get3A_110, %get3A_111] : memref<128x1024xf32, #tpu.memory_space<vmem>>, vector<128x1024xf32>
    %get3A_113 = arith.constant 0 : index
    %get3A_114 = arith.constant 0 : index
    %get3A_115 = vector.load %arg7[%get3A_113, %get3A_114] : memref<128x1024xf32, #tpu.memory_space<vmem>>, vector<128x1024xf32>
    %get3A_116 = arith.constant 0 : index
    %get3A_117 = arith.constant 0 : index
    %get3A_118 = vector.load %arg8[%get3A_116, %get3A_117] : memref<128x1024xf32, #tpu.memory_space<vmem>>, vector<128x1024xf32>
    %get3A_119 = arith.constant 0 : index
    %get3A_120 = arith.constant 0 : index
    %get3A_121 = vector.load %arg9[%get3A_119, %get3A_120] : memref<128x1024xf32, #tpu.memory_space<vmem>>, vector<128x1024xf32>
    %lt3A_122 = arith.cmpf olt, %bitcast_convert_type3A_109, %get3A_112 : vector<128x1024xf32>
    %lt3A_123 = arith.cmpf olt, %bitcast_convert_type3A_109, %get3A_115 : vector<128x1024xf32>
    %lt3A_124 = arith.cmpf olt, %bitcast_convert_type3A_109, %get3A_118 : vector<128x1024xf32>
    %lt3A_125 = arith.cmpf olt, %bitcast_convert_type3A_109, %get3A_121 : vector<128x1024xf32>
    %select_n3A_126 = arith.select %lt3A_124, %get3A_118, %bitcast_convert_type3A_109 : vector<128x1024xi1>, vector<128x1024xf32>
    %select_n3A_127 = arith.select %lt3A_125, %select_n3A_126, %get3A_121 : vector<128x1024xi1>, vector<128x1024xf32>
    %swap3A_128 = arith.constant 0 : index
    %swap3A_129 = arith.constant 0 : index
    %swap3A_130 = vector.load %arg9[%swap3A_128, %swap3A_129] : memref<128x1024xf32, #tpu.memory_space<vmem>>, vector<128x1024xf32>
    tpu.vector_store %arg9[%swap3A_128, %swap3A_129], %select_n3A_127 {strides = array<i32>} : memref<128x1024xf32, #tpu.memory_space<vmem>>, vector<128x1024xf32>,
    %select_n3A_131 = arith.select %lt3A_123, %get3A_115, %bitcast_convert_type3A_109 : vector<128x1024xi1>, vector<128x1024xf32>
    %select_n3A_132 = arith.select %lt3A_124, %select_n3A_131, %get3A_118 : vector<128x1024xi1>, vector<128x1024xf32>
    %swap3A_133 = arith.constant 0 : index
    %swap3A_134 = arith.constant 0 : index
    %swap3A_135 = vector.load %arg8[%swap3A_133, %swap3A_134] : memref<128x1024xf32, #tpu.memory_space<vmem>>, vector<128x1024xf32>
    tpu.vector_store %arg8[%swap3A_133, %swap3A_134], %select_n3A_132 {strides = array<i32>} : memref<128x1024xf32, #tpu.memory_space<vmem>>, vector<128x1024xf32>,
    %select_n3A_136 = arith.select %lt3A_122, %get3A_112, %bitcast_convert_type3A_109 : vector<128x1024xi1>, vector<128x1024xf32>
    %select_n3A_137 = arith.select %lt3A_123, %select_n3A_136, %get3A_115 : vector<128x1024xi1>, vector<128x1024xf32>
    %swap3A_138 = arith.constant 0 : index
    %swap3A_139 = arith.constant 0 : index
    %swap3A_140 = vector.load %arg7[%swap3A_138, %swap3A_139] : memref<128x1024xf32, #tpu.memory_space<vmem>>, vector<128x1024xf32>
    tpu.vector_store %arg7[%swap3A_138, %swap3A_139], %select_n3A_137 {strides = array<i32>} : memref<128x1024xf32, #tpu.memory_space<vmem>>, vector<128x1024xf32>,
    %select_n3A_141 = arith.select %lt3A_122, %bitcast_convert_type3A_109, %get3A_112 : vector<128x1024xi1>, vector<128x1024xf32>
    %swap3A_142 = arith.constant 0 : index
    %swap3A_143 = arith.constant 0 : index
    %swap3A_144 = vector.load %arg6[%swap3A_142, %swap3A_143] : memref<128x1024xf32, #tpu.memory_space<vmem>>, vector<128x1024xf32>
    tpu.vector_store %arg6[%swap3A_142, %swap3A_143], %select_n3A_141 {strides = array<i32>} : memref<128x1024xf32, #tpu.memory_space<vmem>>, vector<128x1024xf32>,
    %slice3A_145 = vector.extract_strided_slice %bitcast_convert_type3A {offsets = [0, 3072], sizes = [128, 1024], strides = [1, 1]} : vector<128x8192xi32> to vector<128x1024xi32>
    %and3A_146 = arith.constant -128 : i32
    %and3A_147 = vector.broadcast %and3A_146 : i32 to vector<128x1024xi32>
    %and3A_148 = arith.andi %slice3A_145, %and3A_147 : vector<128x1024xi32>
    %mul3A_149 = arith.constant 8 : i32
    %mul3A_150 = arith.muli %mul3A_149, %arg1 : i32
    %add3A_151 = arith.constant 3 : i32
    %add3A_152 = arith.addi %mul3A_150, %add3A_151 : i32
    %or3A_153 = vector.broadcast %add3A_152 : i32 to vector<128x1024xi32>
    %or3A_154 = arith.ori %and3A_148, %or3A_153 : vector<128x1024xi32>
    %bitcast_convert_type3A_155 = tpu.bitcast %or3A_154 : vector<128x1024xi32> -> vector<128x1024xf32>
    %get3A_156 = arith.constant 0 : index
    %get3A_157 = arith.constant 0 : index
    %get3A_158 = vector.load %arg6[%get3A_156, %get3A_157] : memref<128x1024xf32, #tpu.memory_space<vmem>>, vector<128x1024xf32>
    %get3A_159 = arith.constant 0 : index
    %get3A_160 = arith.constant 0 : index
    %get3A_161 = vector.load %arg7[%get3A_159, %get3A_160] : memref<128x1024xf32, #tpu.memory_space<vmem>>, vector<128x1024xf32>
    %get3A_162 = arith.constant 0 : index
    %get3A_163 = arith.constant 0 : index
    %get3A_164 = vector.load %arg8[%get3A_162, %get3A_163] : memref<128x1024xf32, #tpu.memory_space<vmem>>, vector<128x1024xf32>
    %get3A_165 = arith.constant 0 : index
    %get3A_166 = arith.constant 0 : index
    %get3A_167 = vector.load %arg9[%get3A_165, %get3A_166] : memref<128x1024xf32, #tpu.memory_space<vmem>>, vector<128x1024xf32>
    %lt3A_168 = arith.cmpf olt, %bitcast_convert_type3A_155, %get3A_158 : vector<128x1024xf32>
    %lt3A_169 = arith.cmpf olt, %bitcast_convert_type3A_155, %get3A_161 : vector<128x1024xf32>
    %lt3A_170 = arith.cmpf olt, %bitcast_convert_type3A_155, %get3A_164 : vector<128x1024xf32>
    %lt3A_171 = arith.cmpf olt, %bitcast_convert_type3A_155, %get3A_167 : vector<128x1024xf32>
    %select_n3A_172 = arith.select %lt3A_170, %get3A_164, %bitcast_convert_type3A_155 : vector<128x1024xi1>, vector<128x1024xf32>
    %select_n3A_173 = arith.select %lt3A_171, %select_n3A_172, %get3A_167 : vector<128x1024xi1>, vector<128x1024xf32>
    %swap3A_174 = arith.constant 0 : index
    %swap3A_175 = arith.constant 0 : index
    %swap3A_176 = vector.load %arg9[%swap3A_174, %swap3A_175] : memref<128x1024xf32, #tpu.memory_space<vmem>>, vector<128x1024xf32>
    tpu.vector_store %arg9[%swap3A_174, %swap3A_175], %select_n3A_173 {strides = array<i32>} : memref<128x1024xf32, #tpu.memory_space<vmem>>, vector<128x1024xf32>,
    %select_n3A_177 = arith.select %lt3A_169, %get3A_161, %bitcast_convert_type3A_155 : vector<128x1024xi1>, vector<128x1024xf32>
    %select_n3A_178 = arith.select %lt3A_170, %select_n3A_177, %get3A_164 : vector<128x1024xi1>, vector<128x1024xf32>
    %swap3A_179 = arith.constant 0 : index
    %swap3A_180 = arith.constant 0 : index
    %swap3A_181 = vector.load %arg8[%swap3A_179, %swap3A_180] : memref<128x1024xf32, #tpu.memory_space<vmem>>, vector<128x1024xf32>
    tpu.vector_store %arg8[%swap3A_179, %swap3A_180], %select_n3A_178 {strides = array<i32>} : memref<128x1024xf32, #tpu.memory_space<vmem>>, vector<128x1024xf32>,
    %select_n3A_182 = arith.select %lt3A_168, %get3A_158, %bitcast_convert_type3A_155 : vector<128x1024xi1>, vector<128x1024xf32>
    %select_n3A_183 = arith.select %lt3A_169, %select_n3A_182, %get3A_161 : vector<128x1024xi1>, vector<128x1024xf32>
    %swap3A_184 = arith.constant 0 : index
    %swap3A_185 = arith.constant 0 : index
    %swap3A_186 = vector.load %arg7[%swap3A_184, %swap3A_185] : memref<128x1024xf32, #tpu.memory_space<vmem>>, vector<128x1024xf32>
    tpu.vector_store %arg7[%swap3A_184, %swap3A_185], %select_n3A_183 {strides = array<i32>} : memref<128x1024xf32, #tpu.memory_space<vmem>>, vector<128x1024xf32>,
    %select_n3A_187 = arith.select %lt3A_168, %bitcast_convert_type3A_155, %get3A_158 : vector<128x1024xi1>, vector<128x1024xf32>
    %swap3A_188 = arith.constant 0 : index
    %swap3A_189 = arith.constant 0 : index
    %swap3A_190 = vector.load %arg6[%swap3A_188, %swap3A_189] : memref<128x1024xf32, #tpu.memory_space<vmem>>, vector<128x1024xf32>
    tpu.vector_store %arg6[%swap3A_188, %swap3A_189], %select_n3A_187 {strides = array<i32>} : memref<128x1024xf32, #tpu.memory_space<vmem>>, vector<128x1024xf32>,
    %slice3A_191 = vector.extract_strided_slice %bitcast_convert_type3A {offsets = [0, 4096], sizes = [128, 1024], strides = [1, 1]} : vector<128x8192xi32> to vector<128x1024xi32>
    %and3A_192 = arith.constant -128 : i32
    %and3A_193 = vector.broadcast %and3A_192 : i32 to vector<128x1024xi32>
    %and3A_194 = arith.andi %slice3A_191, %and3A_193 : vector<128x1024xi32>
    %mul3A_195 = arith.constant 8 : i32
    %mul3A_196 = arith.muli %mul3A_195, %arg1 : i32
    %add3A_197 = arith.constant 4 : i32
    %add3A_198 = arith.addi %mul3A_196, %add3A_197 : i32
    %or3A_199 = vector.broadcast %add3A_198 : i32 to vector<128x1024xi32>
    %or3A_200 = arith.ori %and3A_194, %or3A_199 : vector<128x1024xi32>
    %bitcast_convert_type3A_201 = tpu.bitcast %or3A_200 : vector<128x1024xi32> -> vector<128x1024xf32>
    %get3A_202 = arith.constant 0 : index
    %get3A_203 = arith.constant 0 : index
    %get3A_204 = vector.load %arg6[%get3A_202, %get3A_203] : memref<128x1024xf32, #tpu.memory_space<vmem>>, vector<128x1024xf32>
    %get3A_205 = arith.constant 0 : index
    %get3A_206 = arith.constant 0 : index
    %get3A_207 = vector.load %arg7[%get3A_205, %get3A_206] : memref<128x1024xf32, #tpu.memory_space<vmem>>, vector<128x1024xf32>
    %get3A_208 = arith.constant 0 : index
    %get3A_209 = arith.constant 0 : index
    %get3A_210 = vector.load %arg8[%get3A_208, %get3A_209] : memref<128x1024xf32, #tpu.memory_space<vmem>>, vector<128x1024xf32>
    %get3A_211 = arith.constant 0 : index
    %get3A_212 = arith.constant 0 : index
    %get3A_213 = vector.load %arg9[%get3A_211, %get3A_212] : memref<128x1024xf32, #tpu.memory_space<vmem>>, vector<128x1024xf32>
    %lt3A_214 = arith.cmpf olt, %bitcast_convert_type3A_201, %get3A_204 : vector<128x1024xf32>
    %lt3A_215 = arith.cmpf olt, %bitcast_convert_type3A_201, %get3A_207 : vector<128x1024xf32>
    %lt3A_216 = arith.cmpf olt, %bitcast_convert_type3A_201, %get3A_210 : vector<128x1024xf32>
    %lt3A_217 = arith.cmpf olt, %bitcast_convert_type3A_201, %get3A_213 : vector<128x1024xf32>
    %select_n3A_218 = arith.select %lt3A_216, %get3A_210, %bitcast_convert_type3A_201 : vector<128x1024xi1>, vector<128x1024xf32>
    %select_n3A_219 = arith.select %lt3A_217, %select_n3A_218, %get3A_213 : vector<128x1024xi1>, vector<128x1024xf32>
    %swap3A_220 = arith.constant 0 : index
    %swap3A_221 = arith.constant 0 : index
    %swap3A_222 = vector.load %arg9[%swap3A_220, %swap3A_221] : memref<128x1024xf32, #tpu.memory_space<vmem>>, vector<128x1024xf32>
    tpu.vector_store %arg9[%swap3A_220, %swap3A_221], %select_n3A_219 {strides = array<i32>} : memref<128x1024xf32, #tpu.memory_space<vmem>>, vector<128x1024xf32>,
    %select_n3A_223 = arith.select %lt3A_215, %get3A_207, %bitcast_convert_type3A_201 : vector<128x1024xi1>, vector<128x1024xf32>
    %select_n3A_224 = arith.select %lt3A_216, %select_n3A_223, %get3A_210 : vector<128x1024xi1>, vector<128x1024xf32>
    %swap3A_225 = arith.constant 0 : index
    %swap3A_226 = arith.constant 0 : index
    %swap3A_227 = vector.load %arg8[%swap3A_225, %swap3A_226] : memref<128x1024xf32, #tpu.memory_space<vmem>>, vector<128x1024xf32>
    tpu.vector_store %arg8[%swap3A_225, %swap3A_226], %select_n3A_224 {strides = array<i32>} : memref<128x1024xf32, #tpu.memory_space<vmem>>, vector<128x1024xf32>,
    %select_n3A_228 = arith.select %lt3A_214, %get3A_204, %bitcast_convert_type3A_201 : vector<128x1024xi1>, vector<128x1024xf32>
    %select_n3A_229 = arith.select %lt3A_215, %select_n3A_228, %get3A_207 : vector<128x1024xi1>, vector<128x1024xf32>
    %swap3A_230 = arith.constant 0 : index
    %swap3A_231 = arith.constant 0 : index
    %swap3A_232 = vector.load %arg7[%swap3A_230, %swap3A_231] : memref<128x1024xf32, #tpu.memory_space<vmem>>, vector<128x1024xf32>
    tpu.vector_store %arg7[%swap3A_230, %swap3A_231], %select_n3A_229 {strides = array<i32>} : memref<128x1024xf32, #tpu.memory_space<vmem>>, vector<128x1024xf32>,
    %select_n3A_233 = arith.select %lt3A_214, %bitcast_convert_type3A_201, %get3A_204 : vector<128x1024xi1>, vector<128x1024xf32>
    %swap3A_234 = arith.constant 0 : index
    %swap3A_235 = arith.constant 0 : index
    %swap3A_236 = vector.load %arg6[%swap3A_234, %swap3A_235] : memref<128x1024xf32, #tpu.memory_space<vmem>>, vector<128x1024xf32>
    tpu.vector_store %arg6[%swap3A_234, %swap3A_235], %select_n3A_233 {strides = array<i32>} : memref<128x1024xf32, #tpu.memory_space<vmem>>, vector<128x1024xf32>,
    %slice3A_237 = vector.extract_strided_slice %bitcast_convert_type3A {offsets = [0, 5120], sizes = [128, 1024], strides = [1, 1]} : vector<128x8192xi32> to vector<128x1024xi32>
    %and3A_238 = arith.constant -128 : i32
    %and3A_239 = vector.broadcast %and3A_238 : i32 to vector<128x1024xi32>
    %and3A_240 = arith.andi %slice3A_237, %and3A_239 : vector<128x1024xi32>
    %mul3A_241 = arith.constant 8 : i32
    %mul3A_242 = arith.muli %mul3A_241, %arg1 : i32
    %add3A_243 = arith.constant 5 : i32
    %add3A_244 = arith.addi %mul3A_242, %add3A_243 : i32
    %or3A_245 = vector.broadcast %add3A_244 : i32 to vector<128x1024xi32>
    %or3A_246 = arith.ori %and3A_240, %or3A_245 : vector<128x1024xi32>
    %bitcast_convert_type3A_247 = tpu.bitcast %or3A_246 : vector<128x1024xi32> -> vector<128x1024xf32>
    %get3A_248 = arith.constant 0 : index
    %get3A_249 = arith.constant 0 : index
    %get3A_250 = vector.load %arg6[%get3A_248, %get3A_249] : memref<128x1024xf32, #tpu.memory_space<vmem>>, vector<128x1024xf32>
    %get3A_251 = arith.constant 0 : index
    %get3A_252 = arith.constant 0 : index
    %get3A_253 = vector.load %arg7[%get3A_251, %get3A_252] : memref<128x1024xf32, #tpu.memory_space<vmem>>, vector<128x1024xf32>
    %get3A_254 = arith.constant 0 : index
    %get3A_255 = arith.constant 0 : index
    %get3A_256 = vector.load %arg8[%get3A_254, %get3A_255] : memref<128x1024xf32, #tpu.memory_space<vmem>>, vector<128x1024xf32>
    %get3A_257 = arith.constant 0 : index
    %get3A_258 = arith.constant 0 : index
    %get3A_259 = vector.load %arg9[%get3A_257, %get3A_258] : memref<128x1024xf32, #tpu.memory_space<vmem>>, vector<128x1024xf32>
    %lt3A_260 = arith.cmpf olt, %bitcast_convert_type3A_247, %get3A_250 : vector<128x1024xf32>
    %lt3A_261 = arith.cmpf olt, %bitcast_convert_type3A_247, %get3A_253 : vector<128x1024xf32>
    %lt3A_262 = arith.cmpf olt, %bitcast_convert_type3A_247, %get3A_256 : vector<128x1024xf32>
    %lt3A_263 = arith.cmpf olt, %bitcast_convert_type3A_247, %get3A_259 : vector<128x1024xf32>
    %select_n3A_264 = arith.select %lt3A_262, %get3A_256, %bitcast_convert_type3A_247 : vector<128x1024xi1>, vector<128x1024xf32>
    %select_n3A_265 = arith.select %lt3A_263, %select_n3A_264, %get3A_259 : vector<128x1024xi1>, vector<128x1024xf32>
    %swap3A_266 = arith.constant 0 : index
    %swap3A_267 = arith.constant 0 : index
    %swap3A_268 = vector.load %arg9[%swap3A_266, %swap3A_267] : memref<128x1024xf32, #tpu.memory_space<vmem>>, vector<128x1024xf32>
    tpu.vector_store %arg9[%swap3A_266, %swap3A_267], %select_n3A_265 {strides = array<i32>} : memref<128x1024xf32, #tpu.memory_space<vmem>>, vector<128x1024xf32>,
    %select_n3A_269 = arith.select %lt3A_261, %get3A_253, %bitcast_convert_type3A_247 : vector<128x1024xi1>, vector<128x1024xf32>
    %select_n3A_270 = arith.select %lt3A_262, %select_n3A_269, %get3A_256 : vector<128x1024xi1>, vector<128x1024xf32>
    %swap3A_271 = arith.constant 0 : index
    %swap3A_272 = arith.constant 0 : index
    %swap3A_273 = vector.load %arg8[%swap3A_271, %swap3A_272] : memref<128x1024xf32, #tpu.memory_space<vmem>>, vector<128x1024xf32>
    tpu.vector_store %arg8[%swap3A_271, %swap3A_272], %select_n3A_270 {strides = array<i32>} : memref<128x1024xf32, #tpu.memory_space<vmem>>, vector<128x1024xf32>,
    %select_n3A_274 = arith.select %lt3A_260, %get3A_250, %bitcast_convert_type3A_247 : vector<128x1024xi1>, vector<128x1024xf32>
    %select_n3A_275 = arith.select %lt3A_261, %select_n3A_274, %get3A_253 : vector<128x1024xi1>, vector<128x1024xf32>
    %swap3A_276 = arith.constant 0 : index
    %swap3A_277 = arith.constant 0 : index
    %swap3A_278 = vector.load %arg7[%swap3A_276, %swap3A_277] : memref<128x1024xf32, #tpu.memory_space<vmem>>, vector<128x1024xf32>
    tpu.vector_store %arg7[%swap3A_276, %swap3A_277], %select_n3A_275 {strides = array<i32>} : memref<128x1024xf32, #tpu.memory_space<vmem>>, vector<128x1024xf32>,
    %select_n3A_279 = arith.select %lt3A_260, %bitcast_convert_type3A_247, %get3A_250 : vector<128x1024xi1>, vector<128x1024xf32>
    %swap3A_280 = arith.constant 0 : index
    %swap3A_281 = arith.constant 0 : index
    %swap3A_282 = vector.load %arg6[%swap3A_280, %swap3A_281] : memref<128x1024xf32, #tpu.memory_space<vmem>>, vector<128x1024xf32>
    tpu.vector_store %arg6[%swap3A_280, %swap3A_281], %select_n3A_279 {strides = array<i32>} : memref<128x1024xf32, #tpu.memory_space<vmem>>, vector<128x1024xf32>,
    %slice3A_283 = vector.extract_strided_slice %bitcast_convert_type3A {offsets = [0, 6144], sizes = [128, 1024], strides = [1, 1]} : vector<128x8192xi32> to vector<128x1024xi32>
    %and3A_284 = arith.constant -128 : i32
    %and3A_285 = vector.broadcast %and3A_284 : i32 to vector<128x1024xi32>
    %and3A_286 = arith.andi %slice3A_283, %and3A_285 : vector<128x1024xi32>
    %mul3A_287 = arith.constant 8 : i32
    %mul3A_288 = arith.muli %mul3A_287, %arg1 : i32
    %add3A_289 = arith.constant 6 : i32
    %add3A_290 = arith.addi %mul3A_288, %add3A_289 : i32
    %or3A_291 = vector.broadcast %add3A_290 : i32 to vector<128x1024xi32>
    %or3A_292 = arith.ori %and3A_286, %or3A_291 : vector<128x1024xi32>
    %bitcast_convert_type3A_293 = tpu.bitcast %or3A_292 : vector<128x1024xi32> -> vector<128x1024xf32>
    %get3A_294 = arith.constant 0 : index
    %get3A_295 = arith.constant 0 : index
    %get3A_296 = vector.load %arg6[%get3A_294, %get3A_295] : memref<128x1024xf32, #tpu.memory_space<vmem>>, vector<128x1024xf32>
    %get3A_297 = arith.constant 0 : index
    %get3A_298 = arith.constant 0 : index
    %get3A_299 = vector.load %arg7[%get3A_297, %get3A_298] : memref<128x1024xf32, #tpu.memory_space<vmem>>, vector<128x1024xf32>
    %get3A_300 = arith.constant 0 : index
    %get3A_301 = arith.constant 0 : index
    %get3A_302 = vector.load %arg8[%get3A_300, %get3A_301] : memref<128x1024xf32, #tpu.memory_space<vmem>>, vector<128x1024xf32>
    %get3A_303 = arith.constant 0 : index
    %get3A_304 = arith.constant 0 : index
    %get3A_305 = vector.load %arg9[%get3A_303, %get3A_304] : memref<128x1024xf32, #tpu.memory_space<vmem>>, vector<128x1024xf32>
    %lt3A_306 = arith.cmpf olt, %bitcast_convert_type3A_293, %get3A_296 : vector<128x1024xf32>
    %lt3A_307 = arith.cmpf olt, %bitcast_convert_type3A_293, %get3A_299 : vector<128x1024xf32>
    %lt3A_308 = arith.cmpf olt, %bitcast_convert_type3A_293, %get3A_302 : vector<128x1024xf32>
    %lt3A_309 = arith.cmpf olt, %bitcast_convert_type3A_293, %get3A_305 : vector<128x1024xf32>
    %select_n3A_310 = arith.select %lt3A_308, %get3A_302, %bitcast_convert_type3A_293 : vector<128x1024xi1>, vector<128x1024xf32>
    %select_n3A_311 = arith.select %lt3A_309, %select_n3A_310, %get3A_305 : vector<128x1024xi1>, vector<128x1024xf32>
    %swap3A_312 = arith.constant 0 : index
    %swap3A_313 = arith.constant 0 : index
    %swap3A_314 = vector.load %arg9[%swap3A_312, %swap3A_313] : memref<128x1024xf32, #tpu.memory_space<vmem>>, vector<128x1024xf32>
    tpu.vector_store %arg9[%swap3A_312, %swap3A_313], %select_n3A_311 {strides = array<i32>} : memref<128x1024xf32, #tpu.memory_space<vmem>>, vector<128x1024xf32>,
    %select_n3A_315 = arith.select %lt3A_307, %get3A_299, %bitcast_convert_type3A_293 : vector<128x1024xi1>, vector<128x1024xf32>
    %select_n3A_316 = arith.select %lt3A_308, %select_n3A_315, %get3A_302 : vector<128x1024xi1>, vector<128x1024xf32>
    %swap3A_317 = arith.constant 0 : index
    %swap3A_318 = arith.constant 0 : index
    %swap3A_319 = vector.load %arg8[%swap3A_317, %swap3A_318] : memref<128x1024xf32, #tpu.memory_space<vmem>>, vector<128x1024xf32>
    tpu.vector_store %arg8[%swap3A_317, %swap3A_318], %select_n3A_316 {strides = array<i32>} : memref<128x1024xf32, #tpu.memory_space<vmem>>, vector<128x1024xf32>,
    %select_n3A_320 = arith.select %lt3A_306, %get3A_296, %bitcast_convert_type3A_293 : vector<128x1024xi1>, vector<128x1024xf32>
    %select_n3A_321 = arith.select %lt3A_307, %select_n3A_320, %get3A_299 : vector<128x1024xi1>, vector<128x1024xf32>
    %swap3A_322 = arith.constant 0 : index
    %swap3A_323 = arith.constant 0 : index
    %swap3A_324 = vector.load %arg7[%swap3A_322, %swap3A_323] : memref<128x1024xf32, #tpu.memory_space<vmem>>, vector<128x1024xf32>
    tpu.vector_store %arg7[%swap3A_322, %swap3A_323], %select_n3A_321 {strides = array<i32>} : memref<128x1024xf32, #tpu.memory_space<vmem>>, vector<128x1024xf32>,
    %select_n3A_325 = arith.select %lt3A_306, %bitcast_convert_type3A_293, %get3A_296 : vector<128x1024xi1>, vector<128x1024xf32>
    %swap3A_326 = arith.constant 0 : index
    %swap3A_327 = arith.constant 0 : index
    %swap3A_328 = vector.load %arg6[%swap3A_326, %swap3A_327] : memref<128x1024xf32, #tpu.memory_space<vmem>>, vector<128x1024xf32>
    tpu.vector_store %arg6[%swap3A_326, %swap3A_327], %select_n3A_325 {strides = array<i32>} : memref<128x1024xf32, #tpu.memory_space<vmem>>, vector<128x1024xf32>,
    %slice3A_329 = vector.extract_strided_slice %bitcast_convert_type3A {offsets = [0, 7168], sizes = [128, 1024], strides = [1, 1]} : vector<128x8192xi32> to vector<128x1024xi32>
    %and3A_330 = arith.constant -128 : i32
    %and3A_331 = vector.broadcast %and3A_330 : i32 to vector<128x1024xi32>
    %and3A_332 = arith.andi %slice3A_329, %and3A_331 : vector<128x1024xi32>
    %mul3A_333 = arith.constant 8 : i32
    %mul3A_334 = arith.muli %mul3A_333, %arg1 : i32
    %add3A_335 = arith.constant 7 : i32
    %add3A_336 = arith.addi %mul3A_334, %add3A_335 : i32
    %or3A_337 = vector.broadcast %add3A_336 : i32 to vector<128x1024xi32>
    %or3A_338 = arith.ori %and3A_332, %or3A_337 : vector<128x1024xi32>
    %bitcast_convert_type3A_339 = tpu.bitcast %or3A_338 : vector<128x1024xi32> -> vector<128x1024xf32>
    %get3A_340 = arith.constant 0 : index
    %get3A_341 = arith.constant 0 : index
    %get3A_342 = vector.load %arg6[%get3A_340, %get3A_341] : memref<128x1024xf32, #tpu.memory_space<vmem>>, vector<128x1024xf32>
    %get3A_343 = arith.constant 0 : index
    %get3A_344 = arith.constant 0 : index
    %get3A_345 = vector.load %arg7[%get3A_343, %get3A_344] : memref<128x1024xf32, #tpu.memory_space<vmem>>, vector<128x1024xf32>
    %get3A_346 = arith.constant 0 : index
    %get3A_347 = arith.constant 0 : index
    %get3A_348 = vector.load %arg8[%get3A_346, %get3A_347] : memref<128x1024xf32, #tpu.memory_space<vmem>>, vector<128x1024xf32>
    %get3A_349 = arith.constant 0 : index
    %get3A_350 = arith.constant 0 : index
    %get3A_351 = vector.load %arg9[%get3A_349, %get3A_350] : memref<128x1024xf32, #tpu.memory_space<vmem>>, vector<128x1024xf32>
    %lt3A_352 = arith.cmpf olt, %bitcast_convert_type3A_339, %get3A_342 : vector<128x1024xf32>
    %lt3A_353 = arith.cmpf olt, %bitcast_convert_type3A_339, %get3A_345 : vector<128x1024xf32>
    %lt3A_354 = arith.cmpf olt, %bitcast_convert_type3A_339, %get3A_348 : vector<128x1024xf32>
    %lt3A_355 = arith.cmpf olt, %bitcast_convert_type3A_339, %get3A_351 : vector<128x1024xf32>
    %select_n3A_356 = arith.select %lt3A_354, %get3A_348, %bitcast_convert_type3A_339 : vector<128x1024xi1>, vector<128x1024xf32>
    %select_n3A_357 = arith.select %lt3A_355, %select_n3A_356, %get3A_351 : vector<128x1024xi1>, vector<128x1024xf32>
    %swap3A_358 = arith.constant 0 : index
    %swap3A_359 = arith.constant 0 : index
    %swap3A_360 = vector.load %arg9[%swap3A_358, %swap3A_359] : memref<128x1024xf32, #tpu.memory_space<vmem>>, vector<128x1024xf32>
    tpu.vector_store %arg9[%swap3A_358, %swap3A_359], %select_n3A_357 {strides = array<i32>} : memref<128x1024xf32, #tpu.memory_space<vmem>>, vector<128x1024xf32>,
    %select_n3A_361 = arith.select %lt3A_353, %get3A_345, %bitcast_convert_type3A_339 : vector<128x1024xi1>, vector<128x1024xf32>
    %select_n3A_362 = arith.select %lt3A_354, %select_n3A_361, %get3A_348 : vector<128x1024xi1>, vector<128x1024xf32>
    %swap3A_363 = arith.constant 0 : index
    %swap3A_364 = arith.constant 0 : index
    %swap3A_365 = vector.load %arg8[%swap3A_363, %swap3A_364] : memref<128x1024xf32, #tpu.memory_space<vmem>>, vector<128x1024xf32>
    tpu.vector_store %arg8[%swap3A_363, %swap3A_364], %select_n3A_362 {strides = array<i32>} : memref<128x1024xf32, #tpu.memory_space<vmem>>, vector<128x1024xf32>,
    %select_n3A_366 = arith.select %lt3A_352, %get3A_342, %bitcast_convert_type3A_339 : vector<128x1024xi1>, vector<128x1024xf32>
    %select_n3A_367 = arith.select %lt3A_353, %select_n3A_366, %get3A_345 : vector<128x1024xi1>, vector<128x1024xf32>
    %swap3A_368 = arith.constant 0 : index
    %swap3A_369 = arith.constant 0 : index
    %swap3A_370 = vector.load %arg7[%swap3A_368, %swap3A_369] : memref<128x1024xf32, #tpu.memory_space<vmem>>, vector<128x1024xf32>
    tpu.vector_store %arg7[%swap3A_368, %swap3A_369], %select_n3A_367 {strides = array<i32>} : memref<128x1024xf32, #tpu.memory_space<vmem>>, vector<128x1024xf32>,
    %select_n3A_371 = arith.select %lt3A_352, %bitcast_convert_type3A_339, %get3A_342 : vector<128x1024xi1>, vector<128x1024xf32>
    %swap3A_372 = arith.constant 0 : index
    %swap3A_373 = arith.constant 0 : index
    %swap3A_374 = vector.load %arg6[%swap3A_372, %swap3A_373] : memref<128x1024xf32, #tpu.memory_space<vmem>>, vector<128x1024xf32>
    tpu.vector_store %arg6[%swap3A_372, %swap3A_373], %select_n3A_371 {strides = array<i32>} : memref<128x1024xf32, #tpu.memory_space<vmem>>, vector<128x1024xf32>,
    %eq3A_375 = arith.constant 12 : i32
    %eq3A_376 = arith.cmpi eq, %arg1, %eq3A_375 : i32
    %convert_element_type3A_377 = arith.extui %eq3A_376 : i1 to i32
    %cond3A_378 = arith.constant 0 : i32
    %cond3A_379 = arith.cmpi ne, %convert_element_type3A_377, %cond3A_378 : i32
    scf.if %cond3A_379 {
      %get3A_380 = arith.constant 0 : index
      %get3A_381 = arith.constant 0 : index
      %get3A_382 = vector.load %arg6[%get3A_380, %get3A_381] : memref<128x1024xf32, #tpu.memory_space<vmem>>, vector<128x1024xf32>
      %get3A_383 = arith.constant 0 : index
      %get3A_384 = arith.constant 0 : index
      %get3A_385 = vector.load %arg7[%get3A_383, %get3A_384] : memref<128x1024xf32, #tpu.memory_space<vmem>>, vector<128x1024xf32>
      %get3A_386 = arith.constant 0 : index
      %get3A_387 = arith.constant 0 : index
      %get3A_388 = vector.load %arg8[%get3A_386, %get3A_387] : memref<128x1024xf32, #tpu.memory_space<vmem>>, vector<128x1024xf32>
      %get3A_389 = arith.constant 0 : index
      %get3A_390 = arith.constant 0 : index
      %get3A_391 = vector.load %arg9[%get3A_389, %get3A_390] : memref<128x1024xf32, #tpu.memory_space<vmem>>, vector<128x1024xf32>
      %get3A_392 = arith.constant 0 : index
      %get3A_393 = arith.constant 0 : index
      %get3A_394 = vector.load %arg2[%get3A_392, %get3A_393] : memref<128x24xf32, #tpu.memory_space<vmem>>, vector<128x24xf32>
      %slice3A_395 = vector.extract_strided_slice %get3A_394 {offsets = [0, 0], sizes = [128, 16], strides = [1, 1]} : vector<128x24xf32> to vector<128x16xf32>
      %mul3A_396 = arith.mulf %slice3A_395, %slice3A_395 : vector<128x16xf32>
      %reduce_sum3A = arith.constant dense<0.000000e+00> : vector<128xf32>
      %reduce_sum3A_397 = vector.multi_reduction <add>, %mul3A_396, %reduce_sum3A [1] : vector<128x16xf32> to vector<128xf32>
      %broadcast_in_dim3A = vector.shape_cast %reduce_sum3A_397 : vector<128xf32> to vector<128x1xf32>
      %mul3A_398 = arith.constant 2.500000e-01 : f32
      %mul3A_399 = vector.broadcast %mul3A_398 : f32 to vector<128x1xf32>
      %mul3A_400 = arith.mulf %mul3A_399, %broadcast_in_dim3A : vector<128x1xf32>
      %iota3A = tpu.iota {dimensions = array<i32: 1>} : vector<128x1024xi32>
      %broadcast_in_dim3A_401 = arith.constant 0 : i32
      %broadcast_in_dim3A_402 = vector.broadcast %broadcast_in_dim3A_401 : i32 to vector<128x1024xi32>
      %eq3A_403 = arith.constant 0 : i32
      %eq3A_404 = vector.broadcast %eq3A_403 : i32 to vector<128x1024xi32>
      %eq3A_405 = arith.cmpi eq, %broadcast_in_dim3A_402, %eq3A_404 : vector<128x1024xi32>
      %eq3A_406 = arith.constant 1 : i32
      %eq3A_407 = vector.broadcast %eq3A_406 : i32 to vector<128x1024xi32>
      %eq3A_408 = arith.cmpi eq, %broadcast_in_dim3A_402, %eq3A_407 : vector<128x1024xi32>
      %eq3A_409 = arith.constant 2 : i32
      %eq3A_410 = vector.broadcast %eq3A_409 : i32 to vector<128x1024xi32>
      %eq3A_411 = arith.cmpi eq, %broadcast_in_dim3A_402, %eq3A_410 : vector<128x1024xi32>
      %eq3A_412 = arith.constant 3 : i32
      %eq3A_413 = vector.broadcast %eq3A_412 : i32 to vector<128x1024xi32>
      %eq3A_414 = arith.cmpi eq, %broadcast_in_dim3A_402, %eq3A_413 : vector<128x1024xi32>
      %jit3A = arith.constant 1.000000e+30 : f32
      %broadcast_in_dim3A_415 = vector.broadcast %jit3A : f32 to vector<128x1024xf32>
      %select_n3A_416 = arith.select %eq3A_414, %get3A_391, %broadcast_in_dim3A_415 : vector<128x1024xi1>, vector<128x1024xf32>
      %select_n3A_417 = arith.select %eq3A_411, %get3A_388, %select_n3A_416 : vector<128x1024xi1>, vector<128x1024xf32>
      %select_n3A_418 = arith.select %eq3A_408, %get3A_385, %select_n3A_417 : vector<128x1024xi1>, vector<128x1024xf32>
      %select_n3A_419 = arith.select %eq3A_405, %get3A_382, %select_n3A_418 : vector<128x1024xi1>, vector<128x1024xf32>
      %reduce_min3A = arith.constant dense<0x7F800000> : vector<128xf32>
      %reduce_min3A_420 = vector.multi_reduction <minimumf>, %select_n3A_419, %reduce_min3A [1] : vector<128x1024xf32> to vector<128xf32>
      %broadcast_in_dim3A_421 = vector.shape_cast %reduce_min3A_420 : vector<128xf32> to vector<128x1xf32>
      %eq3A_422 = vector.broadcast %broadcast_in_dim3A_421 : vector<128x1xf32> to vector<128x1024xf32>
      %eq3A_423 = arith.cmpf oeq, %select_n3A_419, %eq3A_422 : vector<128x1024xf32>
      %jit3A_424 = arith.constant 1024 : i32
      %broadcast_in_dim3A_425 = vector.broadcast %jit3A_424 : i32 to vector<128x1024xi32>
      %select_n3A_426 = arith.select %eq3A_423, %iota3A, %broadcast_in_dim3A_425 : vector<128x1024xi1>, vector<128x1024xi32>
      %reduce_min3A_427 = arith.constant dense<2147483647> : vector<128xi32>
      %reduce_min3A_428 = vector.multi_reduction <minsi>, %select_n3A_426, %reduce_min3A_427 [1] : vector<128x1024xi32> to vector<128xi32>
      %broadcast_in_dim3A_429 = vector.shape_cast %reduce_min3A_428 : vector<128xi32> to vector<128x1xi32>
      %eq3A_430 = vector.broadcast %broadcast_in_dim3A_429 : vector<128x1xi32> to vector<128x1024xi32>
      %eq3A_431 = arith.cmpi eq, %iota3A, %eq3A_430 : vector<128x1024xi32>
      %bitcast_convert_type3A_432 = tpu.bitcast %broadcast_in_dim3A_421 : vector<128x1xf32> -> vector<128x1xi32>
      %and3A_433 = arith.constant 127 : i32
      %and3A_434 = vector.broadcast %and3A_433 : i32 to vector<128x1xi32>
      %and3A_435 = arith.andi %bitcast_convert_type3A_432, %and3A_434 : vector<128x1xi32>
      %and3A_436 = arith.constant -128 : i32
      %and3A_437 = vector.broadcast %and3A_436 : i32 to vector<128x1xi32>
      %and3A_438 = arith.andi %bitcast_convert_type3A_432, %and3A_437 : vector<128x1xi32>
      %bitcast_convert_type3A_439 = tpu.bitcast %and3A_438 : vector<128x1xi32> -> vector<128x1xf32>
      %add3A_440 = arith.addf %bitcast_convert_type3A_439, %mul3A_400 : vector<128x1xf32>
      %mul3A_441 = arith.constant -5.000000e-01 : f32
      %mul3A_442 = vector.broadcast %mul3A_441 : f32 to vector<128x1xf32>
      %mul3A_443 = arith.mulf %mul3A_442, %add3A_440 : vector<128x1xf32>
      %exp3A = math.exp %mul3A_443 : vector<128x1xf32>
      %swap3A_444 = arith.constant 0 : index
      %swap3A_445 = arith.constant 0 : index
      %swap3A_446 = vector.load %arg4[%swap3A_444, %swap3A_445] : memref<128x16xf32, #tpu.memory_space<vmem>>, vector<128x1xf32>
      tpu.vector_store %arg4[%swap3A_444, %swap3A_445], %exp3A {strides = array<i32>} : memref<128x16xf32, #tpu.memory_space<vmem>>, vector<128x1xf32>,
      %mul3A_447 = arith.constant 1024 : i32
      %mul3A_448 = vector.broadcast %mul3A_447 : i32 to vector<128x1xi32>
      %mul3A_449 = arith.muli %and3A_435, %mul3A_448 : vector<128x1xi32>
      %add3A_450 = arith.addi %mul3A_449, %broadcast_in_dim3A_429 : vector<128x1xi32>
      %swap3A_451 = arith.constant 0 : index
      %swap3A_452 = arith.constant 0 : index
      %swap3A_453 = vector.load %arg5[%swap3A_451, %swap3A_452] : memref<128x16xi32, #tpu.memory_space<vmem>>, vector<128x1xi32>
      tpu.vector_store %arg5[%swap3A_451, %swap3A_452], %add3A_450 {strides = array<i32>} : memref<128x16xi32, #tpu.memory_space<vmem>>, vector<128x1xi32>,
      %convert_element_type3A_454 = arith.extui %eq3A_431 : vector<128x1024xi1> to vector<128x1024xi32>
      %add3A_455 = arith.addi %broadcast_in_dim3A_402, %convert_element_type3A_454 : vector<128x1024xi32>
      %eq3A_456 = arith.constant 0 : i32
      %eq3A_457 = vector.broadcast %eq3A_456 : i32 to vector<128x1024xi32>
      %eq3A_458 = arith.cmpi eq, %add3A_455, %eq3A_457 : vector<128x1024xi32>
      %eq3A_459 = arith.constant 1 : i32
      %eq3A_460 = vector.broadcast %eq3A_459 : i32 to vector<128x1024xi32>
      %eq3A_461 = arith.cmpi eq, %add3A_455, %eq3A_460 : vector<128x1024xi32>
      %eq3A_462 = arith.constant 2 : i32
      %eq3A_463 = vector.broadcast %eq3A_462 : i32 to vector<128x1024xi32>
      %eq3A_464 = arith.cmpi eq, %add3A_455, %eq3A_463 : vector<128x1024xi32>
      %eq3A_465 = arith.constant 3 : i32
      %eq3A_466 = vector.broadcast %eq3A_465 : i32 to vector<128x1024xi32>
      %eq3A_467 = arith.cmpi eq, %add3A_455, %eq3A_466 : vector<128x1024xi32>
      %jit3A_468 = arith.constant 1.000000e+30 : f32
      %broadcast_in_dim3A_469 = vector.broadcast %jit3A_468 : f32 to vector<128x1024xf32>
      %select_n3A_470 = arith.select %eq3A_467, %get3A_391, %broadcast_in_dim3A_469 : vector<128x1024xi1>, vector<128x1024xf32>
      %select_n3A_471 = arith.select %eq3A_464, %get3A_388, %select_n3A_470 : vector<128x1024xi1>, vector<128x1024xf32>
      %select_n3A_472 = arith.select %eq3A_461, %get3A_385, %select_n3A_471 : vector<128x1024xi1>, vector<128x1024xf32>
      %select_n3A_473 = arith.select %eq3A_458, %get3A_382, %select_n3A_472 : vector<128x1024xi1>, vector<128x1024xf32>
      %reduce_min3A_474 = arith.constant dense<0x7F800000> : vector<128xf32>
      %reduce_min3A_475 = vector.multi_reduction <minimumf>, %select_n3A_473, %reduce_min3A_474 [1] : vector<128x1024xf32> to vector<128xf32>
      %broadcast_in_dim3A_476 = vector.shape_cast %reduce_min3A_475 : vector<128xf32> to vector<128x1xf32>
      %eq3A_477 = vector.broadcast %broadcast_in_dim3A_476 : vector<128x1xf32> to vector<128x1024xf32>
      %eq3A_478 = arith.cmpf oeq, %select_n3A_473, %eq3A_477 : vector<128x1024xf32>
      %jit3A_479 = arith.constant 1024 : i32
      %broadcast_in_dim3A_480 = vector.broadcast %jit3A_479 : i32 to vector<128x1024xi32>
      %select_n3A_481 = arith.select %eq3A_478, %iota3A, %broadcast_in_dim3A_480 : vector<128x1024xi1>, vector<128x1024xi32>
      %reduce_min3A_482 = arith.constant dense<2147483647> : vector<128xi32>
      %reduce_min3A_483 = vector.multi_reduction <minsi>, %select_n3A_481, %reduce_min3A_482 [1] : vector<128x1024xi32> to vector<128xi32>
      %broadcast_in_dim3A_484 = vector.shape_cast %reduce_min3A_483 : vector<128xi32> to vector<128x1xi32>
      %eq3A_485 = vector.broadcast %broadcast_in_dim3A_484 : vector<128x1xi32> to vector<128x1024xi32>
      %eq3A_486 = arith.cmpi eq, %iota3A, %eq3A_485 : vector<128x1024xi32>
      %bitcast_convert_type3A_487 = tpu.bitcast %broadcast_in_dim3A_476 : vector<128x1xf32> -> vector<128x1xi32>
      %and3A_488 = arith.constant 127 : i32
      %and3A_489 = vector.broadcast %and3A_488 : i32 to vector<128x1xi32>
      %and3A_490 = arith.andi %bitcast_convert_type3A_487, %and3A_489 : vector<128x1xi32>
      %and3A_491 = arith.constant -128 : i32
      %and3A_492 = vector.broadcast %and3A_491 : i32 to vector<128x1xi32>
      %and3A_493 = arith.andi %bitcast_convert_type3A_487, %and3A_492 : vector<128x1xi32>
      %bitcast_convert_type3A_494 = tpu.bitcast %and3A_493 : vector<128x1xi32> -> vector<128x1xf32>
      %add3A_495 = arith.addf %bitcast_convert_type3A_494, %mul3A_400 : vector<128x1xf32>
      %mul3A_496 = arith.constant -5.000000e-01 : f32
      %mul3A_497 = vector.broadcast %mul3A_496 : f32 to vector<128x1xf32>
      %mul3A_498 = arith.mulf %mul3A_497, %add3A_495 : vector<128x1xf32>
      %exp3A_499 = math.exp %mul3A_498 : vector<128x1xf32>
      %swap3A_500 = arith.constant 0 : index
      %swap3A_501 = arith.constant 1 : index
      %swap3A_502 = vector.load %arg4[%swap3A_500, %swap3A_501] : memref<128x16xf32, #tpu.memory_space<vmem>>, vector<128x1xf32>
      tpu.vector_store %arg4[%swap3A_500, %swap3A_501], %exp3A_499 {strides = array<i32>} : memref<128x16xf32, #tpu.memory_space<vmem>>, vector<128x1xf32>,
      %mul3A_503 = arith.constant 1024 : i32
      %mul3A_504 = vector.broadcast %mul3A_503 : i32 to vector<128x1xi32>
      %mul3A_505 = arith.muli %and3A_490, %mul3A_504 : vector<128x1xi32>
      %add3A_506 = arith.addi %mul3A_505, %broadcast_in_dim3A_484 : vector<128x1xi32>
      %swap3A_507 = arith.constant 0 : index
      %swap3A_508 = arith.constant 1 : index
      %swap3A_509 = vector.load %arg5[%swap3A_507, %swap3A_508] : memref<128x16xi32, #tpu.memory_space<vmem>>, vector<128x1xi32>
      tpu.vector_store %arg5[%swap3A_507, %swap3A_508], %add3A_506 {strides = array<i32>} : memref<128x16xi32, #tpu.memory_space<vmem>>, vector<128x1xi32>,
      %convert_element_type3A_510 = arith.extui %eq3A_486 : vector<128x1024xi1> to vector<128x1024xi32>
      %add3A_511 = arith.addi %add3A_455, %convert_element_type3A_510 : vector<128x1024xi32>
      %eq3A_512 = arith.constant 0 : i32
      %eq3A_513 = vector.broadcast %eq3A_512 : i32 to vector<128x1024xi32>
      %eq3A_514 = arith.cmpi eq, %add3A_511, %eq3A_513 : vector<128x1024xi32>
      %eq3A_515 = arith.constant 1 : i32
      %eq3A_516 = vector.broadcast %eq3A_515 : i32 to vector<128x1024xi32>
      %eq3A_517 = arith.cmpi eq, %add3A_511, %eq3A_516 : vector<128x1024xi32>
      %eq3A_518 = arith.constant 2 : i32
      %eq3A_519 = vector.broadcast %eq3A_518 : i32 to vector<128x1024xi32>
      %eq3A_520 = arith.cmpi eq, %add3A_511, %eq3A_519 : vector<128x1024xi32>
      %eq3A_521 = arith.constant 3 : i32
      %eq3A_522 = vector.broadcast %eq3A_521 : i32 to vector<128x1024xi32>
      %eq3A_523 = arith.cmpi eq, %add3A_511, %eq3A_522 : vector<128x1024xi32>
      %jit3A_524 = arith.constant 1.000000e+30 : f32
      %broadcast_in_dim3A_525 = vector.broadcast %jit3A_524 : f32 to vector<128x1024xf32>
      %select_n3A_526 = arith.select %eq3A_523, %get3A_391, %broadcast_in_dim3A_525 : vector<128x1024xi1>, vector<128x1024xf32>
      %select_n3A_527 = arith.select %eq3A_520, %get3A_388, %select_n3A_526 : vector<128x1024xi1>, vector<128x1024xf32>
      %select_n3A_528 = arith.select %eq3A_517, %get3A_385, %select_n3A_527 : vector<128x1024xi1>, vector<128x1024xf32>
      %select_n3A_529 = arith.select %eq3A_514, %get3A_382, %select_n3A_528 : vector<128x1024xi1>, vector<128x1024xf32>
      %reduce_min3A_530 = arith.constant dense<0x7F800000> : vector<128xf32>
      %reduce_min3A_531 = vector.multi_reduction <minimumf>, %select_n3A_529, %reduce_min3A_530 [1] : vector<128x1024xf32> to vector<128xf32>
      %broadcast_in_dim3A_532 = vector.shape_cast %reduce_min3A_531 : vector<128xf32> to vector<128x1xf32>
      %eq3A_533 = vector.broadcast %broadcast_in_dim3A_532 : vector<128x1xf32> to vector<128x1024xf32>
      %eq3A_534 = arith.cmpf oeq, %select_n3A_529, %eq3A_533 : vector<128x1024xf32>
      %jit3A_535 = arith.constant 1024 : i32
      %broadcast_in_dim3A_536 = vector.broadcast %jit3A_535 : i32 to vector<128x1024xi32>
      %select_n3A_537 = arith.select %eq3A_534, %iota3A, %broadcast_in_dim3A_536 : vector<128x1024xi1>, vector<128x1024xi32>
      %reduce_min3A_538 = arith.constant dense<2147483647> : vector<128xi32>
      %reduce_min3A_539 = vector.multi_reduction <minsi>, %select_n3A_537, %reduce_min3A_538 [1] : vector<128x1024xi32> to vector<128xi32>
      %broadcast_in_dim3A_540 = vector.shape_cast %reduce_min3A_539 : vector<128xi32> to vector<128x1xi32>
      %eq3A_541 = vector.broadcast %broadcast_in_dim3A_540 : vector<128x1xi32> to vector<128x1024xi32>
      %eq3A_542 = arith.cmpi eq, %iota3A, %eq3A_541 : vector<128x1024xi32>
      %bitcast_convert_type3A_543 = tpu.bitcast %broadcast_in_dim3A_532 : vector<128x1xf32> -> vector<128x1xi32>
      %and3A_544 = arith.constant 127 : i32
      %and3A_545 = vector.broadcast %and3A_544 : i32 to vector<128x1xi32>
      %and3A_546 = arith.andi %bitcast_convert_type3A_543, %and3A_545 : vector<128x1xi32>
      %and3A_547 = arith.constant -128 : i32
      %and3A_548 = vector.broadcast %and3A_547 : i32 to vector<128x1xi32>
      %and3A_549 = arith.andi %bitcast_convert_type3A_543, %and3A_548 : vector<128x1xi32>
      %bitcast_convert_type3A_550 = tpu.bitcast %and3A_549 : vector<128x1xi32> -> vector<128x1xf32>
      %add3A_551 = arith.addf %bitcast_convert_type3A_550, %mul3A_400 : vector<128x1xf32>
      %mul3A_552 = arith.constant -5.000000e-01 : f32
      %mul3A_553 = vector.broadcast %mul3A_552 : f32 to vector<128x1xf32>
      %mul3A_554 = arith.mulf %mul3A_553, %add3A_551 : vector<128x1xf32>
      %exp3A_555 = math.exp %mul3A_554 : vector<128x1xf32>
      %swap3A_556 = arith.constant 0 : index
      %swap3A_557 = arith.constant 2 : index
      %swap3A_558 = vector.load %arg4[%swap3A_556, %swap3A_557] : memref<128x16xf32, #tpu.memory_space<vmem>>, vector<128x1xf32>
      tpu.vector_store %arg4[%swap3A_556, %swap3A_557], %exp3A_555 {strides = array<i32>} : memref<128x16xf32, #tpu.memory_space<vmem>>, vector<128x1xf32>,
      %mul3A_559 = arith.constant 1024 : i32
      %mul3A_560 = vector.broadcast %mul3A_559 : i32 to vector<128x1xi32>
      %mul3A_561 = arith.muli %and3A_546, %mul3A_560 : vector<128x1xi32>
      %add3A_562 = arith.addi %mul3A_561, %broadcast_in_dim3A_540 : vector<128x1xi32>
      %swap3A_563 = arith.constant 0 : index
      %swap3A_564 = arith.constant 2 : index
      %swap3A_565 = vector.load %arg5[%swap3A_563, %swap3A_564] : memref<128x16xi32, #tpu.memory_space<vmem>>, vector<128x1xi32>
      tpu.vector_store %arg5[%swap3A_563, %swap3A_564], %add3A_562 {strides = array<i32>} : memref<128x16xi32, #tpu.memory_space<vmem>>, vector<128x1xi32>,
      %convert_element_type3A_566 = arith.extui %eq3A_542 : vector<128x1024xi1> to vector<128x1024xi32>
      %add3A_567 = arith.addi %add3A_511, %convert_element_type3A_566 : vector<128x1024xi32>
      %eq3A_568 = arith.constant 0 : i32
      %eq3A_569 = vector.broadcast %eq3A_568 : i32 to vector<128x1024xi32>
      %eq3A_570 = arith.cmpi eq, %add3A_567, %eq3A_569 : vector<128x1024xi32>
      %eq3A_571 = arith.constant 1 : i32
      %eq3A_572 = vector.broadcast %eq3A_571 : i32 to vector<128x1024xi32>
      %eq3A_573 = arith.cmpi eq, %add3A_567, %eq3A_572 : vector<128x1024xi32>
      %eq3A_574 = arith.constant 2 : i32
      %eq3A_575 = vector.broadcast %eq3A_574 : i32 to vector<128x1024xi32>
      %eq3A_576 = arith.cmpi eq, %add3A_567, %eq3A_575 : vector<128x1024xi32>
      %eq3A_577 = arith.constant 3 : i32
      %eq3A_578 = vector.broadcast %eq3A_577 : i32 to vector<128x1024xi32>
      %eq3A_579 = arith.cmpi eq, %add3A_567, %eq3A_578 : vector<128x1024xi32>
      %jit3A_580 = arith.constant 1.000000e+30 : f32
      %broadcast_in_dim3A_581 = vector.broadcast %jit3A_580 : f32 to vector<128x1024xf32>
      %select_n3A_582 = arith.select %eq3A_579, %get3A_391, %broadcast_in_dim3A_581 : vector<128x1024xi1>, vector<128x1024xf32>
      %select_n3A_583 = arith.select %eq3A_576, %get3A_388, %select_n3A_582 : vector<128x1024xi1>, vector<128x1024xf32>
      %select_n3A_584 = arith.select %eq3A_573, %get3A_385, %select_n3A_583 : vector<128x1024xi1>, vector<128x1024xf32>
      %select_n3A_585 = arith.select %eq3A_570, %get3A_382, %select_n3A_584 : vector<128x1024xi1>, vector<128x1024xf32>
      %reduce_min3A_586 = arith.constant dense<0x7F800000> : vector<128xf32>
      %reduce_min3A_587 = vector.multi_reduction <minimumf>, %select_n3A_585, %reduce_min3A_586 [1] : vector<128x1024xf32> to vector<128xf32>
      %broadcast_in_dim3A_588 = vector.shape_cast %reduce_min3A_587 : vector<128xf32> to vector<128x1xf32>
      %eq3A_589 = vector.broadcast %broadcast_in_dim3A_588 : vector<128x1xf32> to vector<128x1024xf32>
      %eq3A_590 = arith.cmpf oeq, %select_n3A_585, %eq3A_589 : vector<128x1024xf32>
      %jit3A_591 = arith.constant 1024 : i32
      %broadcast_in_dim3A_592 = vector.broadcast %jit3A_591 : i32 to vector<128x1024xi32>
      %select_n3A_593 = arith.select %eq3A_590, %iota3A, %broadcast_in_dim3A_592 : vector<128x1024xi1>, vector<128x1024xi32>
      %reduce_min3A_594 = arith.constant dense<2147483647> : vector<128xi32>
      %reduce_min3A_595 = vector.multi_reduction <minsi>, %select_n3A_593, %reduce_min3A_594 [1] : vector<128x1024xi32> to vector<128xi32>
      %broadcast_in_dim3A_596 = vector.shape_cast %reduce_min3A_595 : vector<128xi32> to vector<128x1xi32>
      %eq3A_597 = vector.broadcast %broadcast_in_dim3A_596 : vector<128x1xi32> to vector<128x1024xi32>
      %eq3A_598 = arith.cmpi eq, %iota3A, %eq3A_597 : vector<128x1024xi32>
      %bitcast_convert_type3A_599 = tpu.bitcast %broadcast_in_dim3A_588 : vector<128x1xf32> -> vector<128x1xi32>
      %and3A_600 = arith.constant 127 : i32
      %and3A_601 = vector.broadcast %and3A_600 : i32 to vector<128x1xi32>
      %and3A_602 = arith.andi %bitcast_convert_type3A_599, %and3A_601 : vector<128x1xi32>
      %and3A_603 = arith.constant -128 : i32
      %and3A_604 = vector.broadcast %and3A_603 : i32 to vector<128x1xi32>
      %and3A_605 = arith.andi %bitcast_convert_type3A_599, %and3A_604 : vector<128x1xi32>
      %bitcast_convert_type3A_606 = tpu.bitcast %and3A_605 : vector<128x1xi32> -> vector<128x1xf32>
      %add3A_607 = arith.addf %bitcast_convert_type3A_606, %mul3A_400 : vector<128x1xf32>
      %mul3A_608 = arith.constant -5.000000e-01 : f32
      %mul3A_609 = vector.broadcast %mul3A_608 : f32 to vector<128x1xf32>
      %mul3A_610 = arith.mulf %mul3A_609, %add3A_607 : vector<128x1xf32>
      %exp3A_611 = math.exp %mul3A_610 : vector<128x1xf32>
      %swap3A_612 = arith.constant 0 : index
      %swap3A_613 = arith.constant 3 : index
      %swap3A_614 = vector.load %arg4[%swap3A_612, %swap3A_613] : memref<128x16xf32, #tpu.memory_space<vmem>>, vector<128x1xf32>
      tpu.vector_store %arg4[%swap3A_612, %swap3A_613], %exp3A_611 {strides = array<i32>} : memref<128x16xf32, #tpu.memory_space<vmem>>, vector<128x1xf32>,
      %mul3A_615 = arith.constant 1024 : i32
      %mul3A_616 = vector.broadcast %mul3A_615 : i32 to vector<128x1xi32>
      %mul3A_617 = arith.muli %and3A_602, %mul3A_616 : vector<128x1xi32>
      %add3A_618 = arith.addi %mul3A_617, %broadcast_in_dim3A_596 : vector<128x1xi32>
      %swap3A_619 = arith.constant 0 : index
      %swap3A_620 = arith.constant 3 : index
      %swap3A_621 = vector.load %arg5[%swap3A_619, %swap3A_620] : memref<128x16xi32, #tpu.memory_space<vmem>>, vector<128x1xi32>
      tpu.vector_store %arg5[%swap3A_619, %swap3A_620], %add3A_618 {strides = array<i32>} : memref<128x16xi32, #tpu.memory_space<vmem>>, vector<128x1xi32>,
      %convert_element_type3A_622 = arith.extui %eq3A_598 : vector<128x1024xi1> to vector<128x1024xi32>
      %add3A_623 = arith.addi %add3A_567, %convert_element_type3A_622 : vector<128x1024xi32>
      %eq3A_624 = arith.constant 0 : i32
      %eq3A_625 = vector.broadcast %eq3A_624 : i32 to vector<128x1024xi32>
      %eq3A_626 = arith.cmpi eq, %add3A_623, %eq3A_625 : vector<128x1024xi32>
      %eq3A_627 = arith.constant 1 : i32
      %eq3A_628 = vector.broadcast %eq3A_627 : i32 to vector<128x1024xi32>
      %eq3A_629 = arith.cmpi eq, %add3A_623, %eq3A_628 : vector<128x1024xi32>
      %eq3A_630 = arith.constant 2 : i32
      %eq3A_631 = vector.broadcast %eq3A_630 : i32 to vector<128x1024xi32>
      %eq3A_632 = arith.cmpi eq, %add3A_623, %eq3A_631 : vector<128x1024xi32>
      %eq3A_633 = arith.constant 3 : i32
      %eq3A_634 = vector.broadcast %eq3A_633 : i32 to vector<128x1024xi32>
      %eq3A_635 = arith.cmpi eq, %add3A_623, %eq3A_634 : vector<128x1024xi32>
      %jit3A_636 = arith.constant 1.000000e+30 : f32
      %broadcast_in_dim3A_637 = vector.broadcast %jit3A_636 : f32 to vector<128x1024xf32>
      %select_n3A_638 = arith.select %eq3A_635, %get3A_391, %broadcast_in_dim3A_637 : vector<128x1024xi1>, vector<128x1024xf32>
      %select_n3A_639 = arith.select %eq3A_632, %get3A_388, %select_n3A_638 : vector<128x1024xi1>, vector<128x1024xf32>
      %select_n3A_640 = arith.select %eq3A_629, %get3A_385, %select_n3A_639 : vector<128x1024xi1>, vector<128x1024xf32>
      %select_n3A_641 = arith.select %eq3A_626, %get3A_382, %select_n3A_640 : vector<128x1024xi1>, vector<128x1024xf32>
      %reduce_min3A_642 = arith.constant dense<0x7F800000> : vector<128xf32>
      %reduce_min3A_643 = vector.multi_reduction <minimumf>, %select_n3A_641, %reduce_min3A_642 [1] : vector<128x1024xf32> to vector<128xf32>
      %broadcast_in_dim3A_644 = vector.shape_cast %reduce_min3A_643 : vector<128xf32> to vector<128x1xf32>
      %eq3A_645 = vector.broadcast %broadcast_in_dim3A_644 : vector<128x1xf32> to vector<128x1024xf32>
      %eq3A_646 = arith.cmpf oeq, %select_n3A_641, %eq3A_645 : vector<128x1024xf32>
      %jit3A_647 = arith.constant 1024 : i32
      %broadcast_in_dim3A_648 = vector.broadcast %jit3A_647 : i32 to vector<128x1024xi32>
      %select_n3A_649 = arith.select %eq3A_646, %iota3A, %broadcast_in_dim3A_648 : vector<128x1024xi1>, vector<128x1024xi32>
      %reduce_min3A_650 = arith.constant dense<2147483647> : vector<128xi32>
      %reduce_min3A_651 = vector.multi_reduction <minsi>, %select_n3A_649, %reduce_min3A_650 [1] : vector<128x1024xi32> to vector<128xi32>
      %broadcast_in_dim3A_652 = vector.shape_cast %reduce_min3A_651 : vector<128xi32> to vector<128x1xi32>
      %eq3A_653 = vector.broadcast %broadcast_in_dim3A_652 : vector<128x1xi32> to vector<128x1024xi32>
      %eq3A_654 = arith.cmpi eq, %iota3A, %eq3A_653 : vector<128x1024xi32>
      %bitcast_convert_type3A_655 = tpu.bitcast %broadcast_in_dim3A_644 : vector<128x1xf32> -> vector<128x1xi32>
      %and3A_656 = arith.constant 127 : i32
      %and3A_657 = vector.broadcast %and3A_656 : i32 to vector<128x1xi32>
      %and3A_658 = arith.andi %bitcast_convert_type3A_655, %and3A_657 : vector<128x1xi32>
      %and3A_659 = arith.constant -128 : i32
      %and3A_660 = vector.broadcast %and3A_659 : i32 to vector<128x1xi32>
      %and3A_661 = arith.andi %bitcast_convert_type3A_655, %and3A_660 : vector<128x1xi32>
      %bitcast_convert_type3A_662 = tpu.bitcast %and3A_661 : vector<128x1xi32> -> vector<128x1xf32>
      %add3A_663 = arith.addf %bitcast_convert_type3A_662, %mul3A_400 : vector<128x1xf32>
      %mul3A_664 = arith.constant -5.000000e-01 : f32
      %mul3A_665 = vector.broadcast %mul3A_664 : f32 to vector<128x1xf32>
      %mul3A_666 = arith.mulf %mul3A_665, %add3A_663 : vector<128x1xf32>
      %exp3A_667 = math.exp %mul3A_666 : vector<128x1xf32>
      %swap3A_668 = arith.constant 0 : index
      %swap3A_669 = arith.constant 4 : index
      %swap3A_670 = vector.load %arg4[%swap3A_668, %swap3A_669] : memref<128x16xf32, #tpu.memory_space<vmem>>, vector<128x1xf32>
      tpu.vector_store %arg4[%swap3A_668, %swap3A_669], %exp3A_667 {strides = array<i32>} : memref<128x16xf32, #tpu.memory_space<vmem>>, vector<128x1xf32>,
      %mul3A_671 = arith.constant 1024 : i32
      %mul3A_672 = vector.broadcast %mul3A_671 : i32 to vector<128x1xi32>
      %mul3A_673 = arith.muli %and3A_658, %mul3A_672 : vector<128x1xi32>
      %add3A_674 = arith.addi %mul3A_673, %broadcast_in_dim3A_652 : vector<128x1xi32>
      %swap3A_675 = arith.constant 0 : index
      %swap3A_676 = arith.constant 4 : index
      %swap3A_677 = vector.load %arg5[%swap3A_675, %swap3A_676] : memref<128x16xi32, #tpu.memory_space<vmem>>, vector<128x1xi32>
      tpu.vector_store %arg5[%swap3A_675, %swap3A_676], %add3A_674 {strides = array<i32>} : memref<128x16xi32, #tpu.memory_space<vmem>>, vector<128x1xi32>,
      %convert_element_type3A_678 = arith.extui %eq3A_654 : vector<128x1024xi1> to vector<128x1024xi32>
      %add3A_679 = arith.addi %add3A_623, %convert_element_type3A_678 : vector<128x1024xi32>
      %eq3A_680 = arith.constant 0 : i32
      %eq3A_681 = vector.broadcast %eq3A_680 : i32 to vector<128x1024xi32>
      %eq3A_682 = arith.cmpi eq, %add3A_679, %eq3A_681 : vector<128x1024xi32>
      %eq3A_683 = arith.constant 1 : i32
      %eq3A_684 = vector.broadcast %eq3A_683 : i32 to vector<128x1024xi32>
      %eq3A_685 = arith.cmpi eq, %add3A_679, %eq3A_684 : vector<128x1024xi32>
      %eq3A_686 = arith.constant 2 : i32
      %eq3A_687 = vector.broadcast %eq3A_686 : i32 to vector<128x1024xi32>
      %eq3A_688 = arith.cmpi eq, %add3A_679, %eq3A_687 : vector<128x1024xi32>
      %eq3A_689 = arith.constant 3 : i32
      %eq3A_690 = vector.broadcast %eq3A_689 : i32 to vector<128x1024xi32>
      %eq3A_691 = arith.cmpi eq, %add3A_679, %eq3A_690 : vector<128x1024xi32>
      %jit3A_692 = arith.constant 1.000000e+30 : f32
      %broadcast_in_dim3A_693 = vector.broadcast %jit3A_692 : f32 to vector<128x1024xf32>
      %select_n3A_694 = arith.select %eq3A_691, %get3A_391, %broadcast_in_dim3A_693 : vector<128x1024xi1>, vector<128x1024xf32>
      %select_n3A_695 = arith.select %eq3A_688, %get3A_388, %select_n3A_694 : vector<128x1024xi1>, vector<128x1024xf32>
      %select_n3A_696 = arith.select %eq3A_685, %get3A_385, %select_n3A_695 : vector<128x1024xi1>, vector<128x1024xf32>
      %select_n3A_697 = arith.select %eq3A_682, %get3A_382, %select_n3A_696 : vector<128x1024xi1>, vector<128x1024xf32>
      %reduce_min3A_698 = arith.constant dense<0x7F800000> : vector<128xf32>
      %reduce_min3A_699 = vector.multi_reduction <minimumf>, %select_n3A_697, %reduce_min3A_698 [1] : vector<128x1024xf32> to vector<128xf32>
      %broadcast_in_dim3A_700 = vector.shape_cast %reduce_min3A_699 : vector<128xf32> to vector<128x1xf32>
      %eq3A_701 = vector.broadcast %broadcast_in_dim3A_700 : vector<128x1xf32> to vector<128x1024xf32>
      %eq3A_702 = arith.cmpf oeq, %select_n3A_697, %eq3A_701 : vector<128x1024xf32>
      %jit3A_703 = arith.constant 1024 : i32
      %broadcast_in_dim3A_704 = vector.broadcast %jit3A_703 : i32 to vector<128x1024xi32>
      %select_n3A_705 = arith.select %eq3A_702, %iota3A, %broadcast_in_dim3A_704 : vector<128x1024xi1>, vector<128x1024xi32>
      %reduce_min3A_706 = arith.constant dense<2147483647> : vector<128xi32>
      %reduce_min3A_707 = vector.multi_reduction <minsi>, %select_n3A_705, %reduce_min3A_706 [1] : vector<128x1024xi32> to vector<128xi32>
      %broadcast_in_dim3A_708 = vector.shape_cast %reduce_min3A_707 : vector<128xi32> to vector<128x1xi32>
      %eq3A_709 = vector.broadcast %broadcast_in_dim3A_708 : vector<128x1xi32> to vector<128x1024xi32>
      %eq3A_710 = arith.cmpi eq, %iota3A, %eq3A_709 : vector<128x1024xi32>
      %bitcast_convert_type3A_711 = tpu.bitcast %broadcast_in_dim3A_700 : vector<128x1xf32> -> vector<128x1xi32>
      %and3A_712 = arith.constant 127 : i32
      %and3A_713 = vector.broadcast %and3A_712 : i32 to vector<128x1xi32>
      %and3A_714 = arith.andi %bitcast_convert_type3A_711, %and3A_713 : vector<128x1xi32>
      %and3A_715 = arith.constant -128 : i32
      %and3A_716 = vector.broadcast %and3A_715 : i32 to vector<128x1xi32>
      %and3A_717 = arith.andi %bitcast_convert_type3A_711, %and3A_716 : vector<128x1xi32>
      %bitcast_convert_type3A_718 = tpu.bitcast %and3A_717 : vector<128x1xi32> -> vector<128x1xf32>
      %add3A_719 = arith.addf %bitcast_convert_type3A_718, %mul3A_400 : vector<128x1xf32>
      %mul3A_720 = arith.constant -5.000000e-01 : f32
      %mul3A_721 = vector.broadcast %mul3A_720 : f32 to vector<128x1xf32>
      %mul3A_722 = arith.mulf %mul3A_721, %add3A_719 : vector<128x1xf32>
      %exp3A_723 = math.exp %mul3A_722 : vector<128x1xf32>
      %swap3A_724 = arith.constant 0 : index
      %swap3A_725 = arith.constant 5 : index
      %swap3A_726 = vector.load %arg4[%swap3A_724, %swap3A_725] : memref<128x16xf32, #tpu.memory_space<vmem>>, vector<128x1xf32>
      tpu.vector_store %arg4[%swap3A_724, %swap3A_725], %exp3A_723 {strides = array<i32>} : memref<128x16xf32, #tpu.memory_space<vmem>>, vector<128x1xf32>,
      %mul3A_727 = arith.constant 1024 : i32
      %mul3A_728 = vector.broadcast %mul3A_727 : i32 to vector<128x1xi32>
      %mul3A_729 = arith.muli %and3A_714, %mul3A_728 : vector<128x1xi32>
      %add3A_730 = arith.addi %mul3A_729, %broadcast_in_dim3A_708 : vector<128x1xi32>
      %swap3A_731 = arith.constant 0 : index
      %swap3A_732 = arith.constant 5 : index
      %swap3A_733 = vector.load %arg5[%swap3A_731, %swap3A_732] : memref<128x16xi32, #tpu.memory_space<vmem>>, vector<128x1xi32>
      tpu.vector_store %arg5[%swap3A_731, %swap3A_732], %add3A_730 {strides = array<i32>} : memref<128x16xi32, #tpu.memory_space<vmem>>, vector<128x1xi32>,
      %convert_element_type3A_734 = arith.extui %eq3A_710 : vector<128x1024xi1> to vector<128x1024xi32>
      %add3A_735 = arith.addi %add3A_679, %convert_element_type3A_734 : vector<128x1024xi32>
      %eq3A_736 = arith.constant 0 : i32
      %eq3A_737 = vector.broadcast %eq3A_736 : i32 to vector<128x1024xi32>
      %eq3A_738 = arith.cmpi eq, %add3A_735, %eq3A_737 : vector<128x1024xi32>
      %eq3A_739 = arith.constant 1 : i32
      %eq3A_740 = vector.broadcast %eq3A_739 : i32 to vector<128x1024xi32>
      %eq3A_741 = arith.cmpi eq, %add3A_735, %eq3A_740 : vector<128x1024xi32>
      %eq3A_742 = arith.constant 2 : i32
      %eq3A_743 = vector.broadcast %eq3A_742 : i32 to vector<128x1024xi32>
      %eq3A_744 = arith.cmpi eq, %add3A_735, %eq3A_743 : vector<128x1024xi32>
      %eq3A_745 = arith.constant 3 : i32
      %eq3A_746 = vector.broadcast %eq3A_745 : i32 to vector<128x1024xi32>
      %eq3A_747 = arith.cmpi eq, %add3A_735, %eq3A_746 : vector<128x1024xi32>
      %jit3A_748 = arith.constant 1.000000e+30 : f32
      %broadcast_in_dim3A_749 = vector.broadcast %jit3A_748 : f32 to vector<128x1024xf32>
      %select_n3A_750 = arith.select %eq3A_747, %get3A_391, %broadcast_in_dim3A_749 : vector<128x1024xi1>, vector<128x1024xf32>
      %select_n3A_751 = arith.select %eq3A_744, %get3A_388, %select_n3A_750 : vector<128x1024xi1>, vector<128x1024xf32>
      %select_n3A_752 = arith.select %eq3A_741, %get3A_385, %select_n3A_751 : vector<128x1024xi1>, vector<128x1024xf32>
      %select_n3A_753 = arith.select %eq3A_738, %get3A_382, %select_n3A_752 : vector<128x1024xi1>, vector<128x1024xf32>
      %reduce_min3A_754 = arith.constant dense<0x7F800000> : vector<128xf32>
      %reduce_min3A_755 = vector.multi_reduction <minimumf>, %select_n3A_753, %reduce_min3A_754 [1] : vector<128x1024xf32> to vector<128xf32>
      %broadcast_in_dim3A_756 = vector.shape_cast %reduce_min3A_755 : vector<128xf32> to vector<128x1xf32>
      %eq3A_757 = vector.broadcast %broadcast_in_dim3A_756 : vector<128x1xf32> to vector<128x1024xf32>
      %eq3A_758 = arith.cmpf oeq, %select_n3A_753, %eq3A_757 : vector<128x1024xf32>
      %jit3A_759 = arith.constant 1024 : i32
      %broadcast_in_dim3A_760 = vector.broadcast %jit3A_759 : i32 to vector<128x1024xi32>
      %select_n3A_761 = arith.select %eq3A_758, %iota3A, %broadcast_in_dim3A_760 : vector<128x1024xi1>, vector<128x1024xi32>
      %reduce_min3A_762 = arith.constant dense<2147483647> : vector<128xi32>
      %reduce_min3A_763 = vector.multi_reduction <minsi>, %select_n3A_761, %reduce_min3A_762 [1] : vector<128x1024xi32> to vector<128xi32>
      %broadcast_in_dim3A_764 = vector.shape_cast %reduce_min3A_763 : vector<128xi32> to vector<128x1xi32>
      %eq3A_765 = vector.broadcast %broadcast_in_dim3A_764 : vector<128x1xi32> to vector<128x1024xi32>
      %eq3A_766 = arith.cmpi eq, %iota3A, %eq3A_765 : vector<128x1024xi32>
      %bitcast_convert_type3A_767 = tpu.bitcast %broadcast_in_dim3A_756 : vector<128x1xf32> -> vector<128x1xi32>
      %and3A_768 = arith.constant 127 : i32
      %and3A_769 = vector.broadcast %and3A_768 : i32 to vector<128x1xi32>
      %and3A_770 = arith.andi %bitcast_convert_type3A_767, %and3A_769 : vector<128x1xi32>
      %and3A_771 = arith.constant -128 : i32
      %and3A_772 = vector.broadcast %and3A_771 : i32 to vector<128x1xi32>
      %and3A_773 = arith.andi %bitcast_convert_type3A_767, %and3A_772 : vector<128x1xi32>
      %bitcast_convert_type3A_774 = tpu.bitcast %and3A_773 : vector<128x1xi32> -> vector<128x1xf32>
      %add3A_775 = arith.addf %bitcast_convert_type3A_774, %mul3A_400 : vector<128x1xf32>
      %mul3A_776 = arith.constant -5.000000e-01 : f32
      %mul3A_777 = vector.broadcast %mul3A_776 : f32 to vector<128x1xf32>
      %mul3A_778 = arith.mulf %mul3A_777, %add3A_775 : vector<128x1xf32>
      %exp3A_779 = math.exp %mul3A_778 : vector<128x1xf32>
      %swap3A_780 = arith.constant 0 : index
      %swap3A_781 = arith.constant 6 : index
      %swap3A_782 = vector.load %arg4[%swap3A_780, %swap3A_781] : memref<128x16xf32, #tpu.memory_space<vmem>>, vector<128x1xf32>
      tpu.vector_store %arg4[%swap3A_780, %swap3A_781], %exp3A_779 {strides = array<i32>} : memref<128x16xf32, #tpu.memory_space<vmem>>, vector<128x1xf32>,
      %mul3A_783 = arith.constant 1024 : i32
      %mul3A_784 = vector.broadcast %mul3A_783 : i32 to vector<128x1xi32>
      %mul3A_785 = arith.muli %and3A_770, %mul3A_784 : vector<128x1xi32>
      %add3A_786 = arith.addi %mul3A_785, %broadcast_in_dim3A_764 : vector<128x1xi32>
      %swap3A_787 = arith.constant 0 : index
      %swap3A_788 = arith.constant 6 : index
      %swap3A_789 = vector.load %arg5[%swap3A_787, %swap3A_788] : memref<128x16xi32, #tpu.memory_space<vmem>>, vector<128x1xi32>
      tpu.vector_store %arg5[%swap3A_787, %swap3A_788], %add3A_786 {strides = array<i32>} : memref<128x16xi32, #tpu.memory_space<vmem>>, vector<128x1xi32>,
      %convert_element_type3A_790 = arith.extui %eq3A_766 : vector<128x1024xi1> to vector<128x1024xi32>
      %add3A_791 = arith.addi %add3A_735, %convert_element_type3A_790 : vector<128x1024xi32>
      %eq3A_792 = arith.constant 0 : i32
      %eq3A_793 = vector.broadcast %eq3A_792 : i32 to vector<128x1024xi32>
      %eq3A_794 = arith.cmpi eq, %add3A_791, %eq3A_793 : vector<128x1024xi32>
      %eq3A_795 = arith.constant 1 : i32
      %eq3A_796 = vector.broadcast %eq3A_795 : i32 to vector<128x1024xi32>
      %eq3A_797 = arith.cmpi eq, %add3A_791, %eq3A_796 : vector<128x1024xi32>
      %eq3A_798 = arith.constant 2 : i32
      %eq3A_799 = vector.broadcast %eq3A_798 : i32 to vector<128x1024xi32>
      %eq3A_800 = arith.cmpi eq, %add3A_791, %eq3A_799 : vector<128x1024xi32>
      %eq3A_801 = arith.constant 3 : i32
      %eq3A_802 = vector.broadcast %eq3A_801 : i32 to vector<128x1024xi32>
      %eq3A_803 = arith.cmpi eq, %add3A_791, %eq3A_802 : vector<128x1024xi32>
      %jit3A_804 = arith.constant 1.000000e+30 : f32
      %broadcast_in_dim3A_805 = vector.broadcast %jit3A_804 : f32 to vector<128x1024xf32>
      %select_n3A_806 = arith.select %eq3A_803, %get3A_391, %broadcast_in_dim3A_805 : vector<128x1024xi1>, vector<128x1024xf32>
      %select_n3A_807 = arith.select %eq3A_800, %get3A_388, %select_n3A_806 : vector<128x1024xi1>, vector<128x1024xf32>
      %select_n3A_808 = arith.select %eq3A_797, %get3A_385, %select_n3A_807 : vector<128x1024xi1>, vector<128x1024xf32>
      %select_n3A_809 = arith.select %eq3A_794, %get3A_382, %select_n3A_808 : vector<128x1024xi1>, vector<128x1024xf32>
      %reduce_min3A_810 = arith.constant dense<0x7F800000> : vector<128xf32>
      %reduce_min3A_811 = vector.multi_reduction <minimumf>, %select_n3A_809, %reduce_min3A_810 [1] : vector<128x1024xf32> to vector<128xf32>
      %broadcast_in_dim3A_812 = vector.shape_cast %reduce_min3A_811 : vector<128xf32> to vector<128x1xf32>
      %eq3A_813 = vector.broadcast %broadcast_in_dim3A_812 : vector<128x1xf32> to vector<128x1024xf32>
      %eq3A_814 = arith.cmpf oeq, %select_n3A_809, %eq3A_813 : vector<128x1024xf32>
      %jit3A_815 = arith.constant 1024 : i32
      %broadcast_in_dim3A_816 = vector.broadcast %jit3A_815 : i32 to vector<128x1024xi32>
      %select_n3A_817 = arith.select %eq3A_814, %iota3A, %broadcast_in_dim3A_816 : vector<128x1024xi1>, vector<128x1024xi32>
      %reduce_min3A_818 = arith.constant dense<2147483647> : vector<128xi32>
      %reduce_min3A_819 = vector.multi_reduction <minsi>, %select_n3A_817, %reduce_min3A_818 [1] : vector<128x1024xi32> to vector<128xi32>
      %broadcast_in_dim3A_820 = vector.shape_cast %reduce_min3A_819 : vector<128xi32> to vector<128x1xi32>
      %eq3A_821 = vector.broadcast %broadcast_in_dim3A_820 : vector<128x1xi32> to vector<128x1024xi32>
      %eq3A_822 = arith.cmpi eq, %iota3A, %eq3A_821 : vector<128x1024xi32>
      %bitcast_convert_type3A_823 = tpu.bitcast %broadcast_in_dim3A_812 : vector<128x1xf32> -> vector<128x1xi32>
      %and3A_824 = arith.constant 127 : i32
      %and3A_825 = vector.broadcast %and3A_824 : i32 to vector<128x1xi32>
      %and3A_826 = arith.andi %bitcast_convert_type3A_823, %and3A_825 : vector<128x1xi32>
      %and3A_827 = arith.constant -128 : i32
      %and3A_828 = vector.broadcast %and3A_827 : i32 to vector<128x1xi32>
      %and3A_829 = arith.andi %bitcast_convert_type3A_823, %and3A_828 : vector<128x1xi32>
      %bitcast_convert_type3A_830 = tpu.bitcast %and3A_829 : vector<128x1xi32> -> vector<128x1xf32>
      %add3A_831 = arith.addf %bitcast_convert_type3A_830, %mul3A_400 : vector<128x1xf32>
      %mul3A_832 = arith.constant -5.000000e-01 : f32
      %mul3A_833 = vector.broadcast %mul3A_832 : f32 to vector<128x1xf32>
      %mul3A_834 = arith.mulf %mul3A_833, %add3A_831 : vector<128x1xf32>
      %exp3A_835 = math.exp %mul3A_834 : vector<128x1xf32>
      %swap3A_836 = arith.constant 0 : index
      %swap3A_837 = arith.constant 7 : index
      %swap3A_838 = vector.load %arg4[%swap3A_836, %swap3A_837] : memref<128x16xf32, #tpu.memory_space<vmem>>, vector<128x1xf32>
      tpu.vector_store %arg4[%swap3A_836, %swap3A_837], %exp3A_835 {strides = array<i32>} : memref<128x16xf32, #tpu.memory_space<vmem>>, vector<128x1xf32>,
      %mul3A_839 = arith.constant 1024 : i32
      %mul3A_840 = vector.broadcast %mul3A_839 : i32 to vector<128x1xi32>
      %mul3A_841 = arith.muli %and3A_826, %mul3A_840 : vector<128x1xi32>
      %add3A_842 = arith.addi %mul3A_841, %broadcast_in_dim3A_820 : vector<128x1xi32>
      %swap3A_843 = arith.constant 0 : index
      %swap3A_844 = arith.constant 7 : index
      %swap3A_845 = vector.load %arg5[%swap3A_843, %swap3A_844] : memref<128x16xi32, #tpu.memory_space<vmem>>, vector<128x1xi32>
      tpu.vector_store %arg5[%swap3A_843, %swap3A_844], %add3A_842 {strides = array<i32>} : memref<128x16xi32, #tpu.memory_space<vmem>>, vector<128x1xi32>,
      %convert_element_type3A_846 = arith.extui %eq3A_822 : vector<128x1024xi1> to vector<128x1024xi32>
      %add3A_847 = arith.addi %add3A_791, %convert_element_type3A_846 : vector<128x1024xi32>
      %eq3A_848 = arith.constant 0 : i32
      %eq3A_849 = vector.broadcast %eq3A_848 : i32 to vector<128x1024xi32>
      %eq3A_850 = arith.cmpi eq, %add3A_847, %eq3A_849 : vector<128x1024xi32>
      %eq3A_851 = arith.constant 1 : i32
      %eq3A_852 = vector.broadcast %eq3A_851 : i32 to vector<128x1024xi32>
      %eq3A_853 = arith.cmpi eq, %add3A_847, %eq3A_852 : vector<128x1024xi32>
      %eq3A_854 = arith.constant 2 : i32
      %eq3A_855 = vector.broadcast %eq3A_854 : i32 to vector<128x1024xi32>
      %eq3A_856 = arith.cmpi eq, %add3A_847, %eq3A_855 : vector<128x1024xi32>
      %eq3A_857 = arith.constant 3 : i32
      %eq3A_858 = vector.broadcast %eq3A_857 : i32 to vector<128x1024xi32>
      %eq3A_859 = arith.cmpi eq, %add3A_847, %eq3A_858 : vector<128x1024xi32>
      %jit3A_860 = arith.constant 1.000000e+30 : f32
      %broadcast_in_dim3A_861 = vector.broadcast %jit3A_860 : f32 to vector<128x1024xf32>
      %select_n3A_862 = arith.select %eq3A_859, %get3A_391, %broadcast_in_dim3A_861 : vector<128x1024xi1>, vector<128x1024xf32>
      %select_n3A_863 = arith.select %eq3A_856, %get3A_388, %select_n3A_862 : vector<128x1024xi1>, vector<128x1024xf32>
      %select_n3A_864 = arith.select %eq3A_853, %get3A_385, %select_n3A_863 : vector<128x1024xi1>, vector<128x1024xf32>
      %select_n3A_865 = arith.select %eq3A_850, %get3A_382, %select_n3A_864 : vector<128x1024xi1>, vector<128x1024xf32>
      %reduce_min3A_866 = arith.constant dense<0x7F800000> : vector<128xf32>
      %reduce_min3A_867 = vector.multi_reduction <minimumf>, %select_n3A_865, %reduce_min3A_866 [1] : vector<128x1024xf32> to vector<128xf32>
      %broadcast_in_dim3A_868 = vector.shape_cast %reduce_min3A_867 : vector<128xf32> to vector<128x1xf32>
      %eq3A_869 = vector.broadcast %broadcast_in_dim3A_868 : vector<128x1xf32> to vector<128x1024xf32>
      %eq3A_870 = arith.cmpf oeq, %select_n3A_865, %eq3A_869 : vector<128x1024xf32>
      %jit3A_871 = arith.constant 1024 : i32
      %broadcast_in_dim3A_872 = vector.broadcast %jit3A_871 : i32 to vector<128x1024xi32>
      %select_n3A_873 = arith.select %eq3A_870, %iota3A, %broadcast_in_dim3A_872 : vector<128x1024xi1>, vector<128x1024xi32>
      %reduce_min3A_874 = arith.constant dense<2147483647> : vector<128xi32>
      %reduce_min3A_875 = vector.multi_reduction <minsi>, %select_n3A_873, %reduce_min3A_874 [1] : vector<128x1024xi32> to vector<128xi32>
      %broadcast_in_dim3A_876 = vector.shape_cast %reduce_min3A_875 : vector<128xi32> to vector<128x1xi32>
      %eq3A_877 = vector.broadcast %broadcast_in_dim3A_876 : vector<128x1xi32> to vector<128x1024xi32>
      %eq3A_878 = arith.cmpi eq, %iota3A, %eq3A_877 : vector<128x1024xi32>
      %bitcast_convert_type3A_879 = tpu.bitcast %broadcast_in_dim3A_868 : vector<128x1xf32> -> vector<128x1xi32>
      %and3A_880 = arith.constant 127 : i32
      %and3A_881 = vector.broadcast %and3A_880 : i32 to vector<128x1xi32>
      %and3A_882 = arith.andi %bitcast_convert_type3A_879, %and3A_881 : vector<128x1xi32>
      %and3A_883 = arith.constant -128 : i32
      %and3A_884 = vector.broadcast %and3A_883 : i32 to vector<128x1xi32>
      %and3A_885 = arith.andi %bitcast_convert_type3A_879, %and3A_884 : vector<128x1xi32>
      %bitcast_convert_type3A_886 = tpu.bitcast %and3A_885 : vector<128x1xi32> -> vector<128x1xf32>
      %add3A_887 = arith.addf %bitcast_convert_type3A_886, %mul3A_400 : vector<128x1xf32>
      %mul3A_888 = arith.constant -5.000000e-01 : f32
      %mul3A_889 = vector.broadcast %mul3A_888 : f32 to vector<128x1xf32>
      %mul3A_890 = arith.mulf %mul3A_889, %add3A_887 : vector<128x1xf32>
      %exp3A_891 = math.exp %mul3A_890 : vector<128x1xf32>
      %swap3A_892 = arith.constant 0 : index
      %swap3A_893 = arith.constant 8 : index
      %swap3A_894 = vector.load %arg4[%swap3A_892, %swap3A_893] : memref<128x16xf32, #tpu.memory_space<vmem>>, vector<128x1xf32>
      tpu.vector_store %arg4[%swap3A_892, %swap3A_893], %exp3A_891 {strides = array<i32>} : memref<128x16xf32, #tpu.memory_space<vmem>>, vector<128x1xf32>,
      %mul3A_895 = arith.constant 1024 : i32
      %mul3A_896 = vector.broadcast %mul3A_895 : i32 to vector<128x1xi32>
      %mul3A_897 = arith.muli %and3A_882, %mul3A_896 : vector<128x1xi32>
      %add3A_898 = arith.addi %mul3A_897, %broadcast_in_dim3A_876 : vector<128x1xi32>
      %swap3A_899 = arith.constant 0 : index
      %swap3A_900 = arith.constant 8 : index
      %swap3A_901 = vector.load %arg5[%swap3A_899, %swap3A_900] : memref<128x16xi32, #tpu.memory_space<vmem>>, vector<128x1xi32>
      tpu.vector_store %arg5[%swap3A_899, %swap3A_900], %add3A_898 {strides = array<i32>} : memref<128x16xi32, #tpu.memory_space<vmem>>, vector<128x1xi32>,
      %convert_element_type3A_902 = arith.extui %eq3A_878 : vector<128x1024xi1> to vector<128x1024xi32>
      %add3A_903 = arith.addi %add3A_847, %convert_element_type3A_902 : vector<128x1024xi32>
      %eq3A_904 = arith.constant 0 : i32
      %eq3A_905 = vector.broadcast %eq3A_904 : i32 to vector<128x1024xi32>
      %eq3A_906 = arith.cmpi eq, %add3A_903, %eq3A_905 : vector<128x1024xi32>
      %eq3A_907 = arith.constant 1 : i32
      %eq3A_908 = vector.broadcast %eq3A_907 : i32 to vector<128x1024xi32>
      %eq3A_909 = arith.cmpi eq, %add3A_903, %eq3A_908 : vector<128x1024xi32>
      %eq3A_910 = arith.constant 2 : i32
      %eq3A_911 = vector.broadcast %eq3A_910 : i32 to vector<128x1024xi32>
      %eq3A_912 = arith.cmpi eq, %add3A_903, %eq3A_911 : vector<128x1024xi32>
      %eq3A_913 = arith.constant 3 : i32
      %eq3A_914 = vector.broadcast %eq3A_913 : i32 to vector<128x1024xi32>
      %eq3A_915 = arith.cmpi eq, %add3A_903, %eq3A_914 : vector<128x1024xi32>
      %jit3A_916 = arith.constant 1.000000e+30 : f32
      %broadcast_in_dim3A_917 = vector.broadcast %jit3A_916 : f32 to vector<128x1024xf32>
      %select_n3A_918 = arith.select %eq3A_915, %get3A_391, %broadcast_in_dim3A_917 : vector<128x1024xi1>, vector<128x1024xf32>
      %select_n3A_919 = arith.select %eq3A_912, %get3A_388, %select_n3A_918 : vector<128x1024xi1>, vector<128x1024xf32>
      %select_n3A_920 = arith.select %eq3A_909, %get3A_385, %select_n3A_919 : vector<128x1024xi1>, vector<128x1024xf32>
      %select_n3A_921 = arith.select %eq3A_906, %get3A_382, %select_n3A_920 : vector<128x1024xi1>, vector<128x1024xf32>
      %reduce_min3A_922 = arith.constant dense<0x7F800000> : vector<128xf32>
      %reduce_min3A_923 = vector.multi_reduction <minimumf>, %select_n3A_921, %reduce_min3A_922 [1] : vector<128x1024xf32> to vector<128xf32>
      %broadcast_in_dim3A_924 = vector.shape_cast %reduce_min3A_923 : vector<128xf32> to vector<128x1xf32>
      %eq3A_925 = vector.broadcast %broadcast_in_dim3A_924 : vector<128x1xf32> to vector<128x1024xf32>
      %eq3A_926 = arith.cmpf oeq, %select_n3A_921, %eq3A_925 : vector<128x1024xf32>
      %jit3A_927 = arith.constant 1024 : i32
      %broadcast_in_dim3A_928 = vector.broadcast %jit3A_927 : i32 to vector<128x1024xi32>
      %select_n3A_929 = arith.select %eq3A_926, %iota3A, %broadcast_in_dim3A_928 : vector<128x1024xi1>, vector<128x1024xi32>
      %reduce_min3A_930 = arith.constant dense<2147483647> : vector<128xi32>
      %reduce_min3A_931 = vector.multi_reduction <minsi>, %select_n3A_929, %reduce_min3A_930 [1] : vector<128x1024xi32> to vector<128xi32>
      %broadcast_in_dim3A_932 = vector.shape_cast %reduce_min3A_931 : vector<128xi32> to vector<128x1xi32>
      %eq3A_933 = vector.broadcast %broadcast_in_dim3A_932 : vector<128x1xi32> to vector<128x1024xi32>
      %eq3A_934 = arith.cmpi eq, %iota3A, %eq3A_933 : vector<128x1024xi32>
      %bitcast_convert_type3A_935 = tpu.bitcast %broadcast_in_dim3A_924 : vector<128x1xf32> -> vector<128x1xi32>
      %and3A_936 = arith.constant 127 : i32
      %and3A_937 = vector.broadcast %and3A_936 : i32 to vector<128x1xi32>
      %and3A_938 = arith.andi %bitcast_convert_type3A_935, %and3A_937 : vector<128x1xi32>
      %and3A_939 = arith.constant -128 : i32
      %and3A_940 = vector.broadcast %and3A_939 : i32 to vector<128x1xi32>
      %and3A_941 = arith.andi %bitcast_convert_type3A_935, %and3A_940 : vector<128x1xi32>
      %bitcast_convert_type3A_942 = tpu.bitcast %and3A_941 : vector<128x1xi32> -> vector<128x1xf32>
      %add3A_943 = arith.addf %bitcast_convert_type3A_942, %mul3A_400 : vector<128x1xf32>
      %mul3A_944 = arith.constant -5.000000e-01 : f32
      %mul3A_945 = vector.broadcast %mul3A_944 : f32 to vector<128x1xf32>
      %mul3A_946 = arith.mulf %mul3A_945, %add3A_943 : vector<128x1xf32>
      %exp3A_947 = math.exp %mul3A_946 : vector<128x1xf32>
      %swap3A_948 = arith.constant 0 : index
      %swap3A_949 = arith.constant 9 : index
      %swap3A_950 = vector.load %arg4[%swap3A_948, %swap3A_949] : memref<128x16xf32, #tpu.memory_space<vmem>>, vector<128x1xf32>
      tpu.vector_store %arg4[%swap3A_948, %swap3A_949], %exp3A_947 {strides = array<i32>} : memref<128x16xf32, #tpu.memory_space<vmem>>, vector<128x1xf32>,
      %mul3A_951 = arith.constant 1024 : i32
      %mul3A_952 = vector.broadcast %mul3A_951 : i32 to vector<128x1xi32>
      %mul3A_953 = arith.muli %and3A_938, %mul3A_952 : vector<128x1xi32>
      %add3A_954 = arith.addi %mul3A_953, %broadcast_in_dim3A_932 : vector<128x1xi32>
      %swap3A_955 = arith.constant 0 : index
      %swap3A_956 = arith.constant 9 : index
      %swap3A_957 = vector.load %arg5[%swap3A_955, %swap3A_956] : memref<128x16xi32, #tpu.memory_space<vmem>>, vector<128x1xi32>
      tpu.vector_store %arg5[%swap3A_955, %swap3A_956], %add3A_954 {strides = array<i32>} : memref<128x16xi32, #tpu.memory_space<vmem>>, vector<128x1xi32>,
      %convert_element_type3A_958 = arith.extui %eq3A_934 : vector<128x1024xi1> to vector<128x1024xi32>
      %add3A_959 = arith.addi %add3A_903, %convert_element_type3A_958 : vector<128x1024xi32>
      %eq3A_960 = arith.constant 0 : i32
      %eq3A_961 = vector.broadcast %eq3A_960 : i32 to vector<128x1024xi32>
      %eq3A_962 = arith.cmpi eq, %add3A_959, %eq3A_961 : vector<128x1024xi32>
      %eq3A_963 = arith.constant 1 : i32
      %eq3A_964 = vector.broadcast %eq3A_963 : i32 to vector<128x1024xi32>
      %eq3A_965 = arith.cmpi eq, %add3A_959, %eq3A_964 : vector<128x1024xi32>
      %eq3A_966 = arith.constant 2 : i32
      %eq3A_967 = vector.broadcast %eq3A_966 : i32 to vector<128x1024xi32>
      %eq3A_968 = arith.cmpi eq, %add3A_959, %eq3A_967 : vector<128x1024xi32>
      %eq3A_969 = arith.constant 3 : i32
      %eq3A_970 = vector.broadcast %eq3A_969 : i32 to vector<128x1024xi32>
      %eq3A_971 = arith.cmpi eq, %add3A_959, %eq3A_970 : vector<128x1024xi32>
      %jit3A_972 = arith.constant 1.000000e+30 : f32
      %broadcast_in_dim3A_973 = vector.broadcast %jit3A_972 : f32 to vector<128x1024xf32>
      %select_n3A_974 = arith.select %eq3A_971, %get3A_391, %broadcast_in_dim3A_973 : vector<128x1024xi1>, vector<128x1024xf32>
      %select_n3A_975 = arith.select %eq3A_968, %get3A_388, %select_n3A_974 : vector<128x1024xi1>, vector<128x1024xf32>
      %select_n3A_976 = arith.select %eq3A_965, %get3A_385, %select_n3A_975 : vector<128x1024xi1>, vector<128x1024xf32>
      %select_n3A_977 = arith.select %eq3A_962, %get3A_382, %select_n3A_976 : vector<128x1024xi1>, vector<128x1024xf32>
      %reduce_min3A_978 = arith.constant dense<0x7F800000> : vector<128xf32>
      %reduce_min3A_979 = vector.multi_reduction <minimumf>, %select_n3A_977, %reduce_min3A_978 [1] : vector<128x1024xf32> to vector<128xf32>
      %broadcast_in_dim3A_980 = vector.shape_cast %reduce_min3A_979 : vector<128xf32> to vector<128x1xf32>
      %eq3A_981 = vector.broadcast %broadcast_in_dim3A_980 : vector<128x1xf32> to vector<128x1024xf32>
      %eq3A_982 = arith.cmpf oeq, %select_n3A_977, %eq3A_981 : vector<128x1024xf32>
      %jit3A_983 = arith.constant 1024 : i32
      %broadcast_in_dim3A_984 = vector.broadcast %jit3A_983 : i32 to vector<128x1024xi32>
      %select_n3A_985 = arith.select %eq3A_982, %iota3A, %broadcast_in_dim3A_984 : vector<128x1024xi1>, vector<128x1024xi32>
      %reduce_min3A_986 = arith.constant dense<2147483647> : vector<128xi32>
      %reduce_min3A_987 = vector.multi_reduction <minsi>, %select_n3A_985, %reduce_min3A_986 [1] : vector<128x1024xi32> to vector<128xi32>
      %broadcast_in_dim3A_988 = vector.shape_cast %reduce_min3A_987 : vector<128xi32> to vector<128x1xi32>
      %eq3A_989 = vector.broadcast %broadcast_in_dim3A_988 : vector<128x1xi32> to vector<128x1024xi32>
      %eq3A_990 = arith.cmpi eq, %iota3A, %eq3A_989 : vector<128x1024xi32>
      %bitcast_convert_type3A_991 = tpu.bitcast %broadcast_in_dim3A_980 : vector<128x1xf32> -> vector<128x1xi32>
      %and3A_992 = arith.constant 127 : i32
      %and3A_993 = vector.broadcast %and3A_992 : i32 to vector<128x1xi32>
      %and3A_994 = arith.andi %bitcast_convert_type3A_991, %and3A_993 : vector<128x1xi32>
      %and3A_995 = arith.constant -128 : i32
      %and3A_996 = vector.broadcast %and3A_995 : i32 to vector<128x1xi32>
      %and3A_997 = arith.andi %bitcast_convert_type3A_991, %and3A_996 : vector<128x1xi32>
      %bitcast_convert_type3A_998 = tpu.bitcast %and3A_997 : vector<128x1xi32> -> vector<128x1xf32>
      %add3A_999 = arith.addf %bitcast_convert_type3A_998, %mul3A_400 : vector<128x1xf32>
      %mul3A_1000 = arith.constant -5.000000e-01 : f32
      %mul3A_1001 = vector.broadcast %mul3A_1000 : f32 to vector<128x1xf32>
      %mul3A_1002 = arith.mulf %mul3A_1001, %add3A_999 : vector<128x1xf32>
      %exp3A_1003 = math.exp %mul3A_1002 : vector<128x1xf32>
      %swap3A_1004 = arith.constant 0 : index
      %swap3A_1005 = arith.constant 10 : index
      %swap3A_1006 = vector.load %arg4[%swap3A_1004, %swap3A_1005] : memref<128x16xf32, #tpu.memory_space<vmem>>, vector<128x1xf32>
      tpu.vector_store %arg4[%swap3A_1004, %swap3A_1005], %exp3A_1003 {strides = array<i32>} : memref<128x16xf32, #tpu.memory_space<vmem>>, vector<128x1xf32>,
      %mul3A_1007 = arith.constant 1024 : i32
      %mul3A_1008 = vector.broadcast %mul3A_1007 : i32 to vector<128x1xi32>
      %mul3A_1009 = arith.muli %and3A_994, %mul3A_1008 : vector<128x1xi32>
      %add3A_1010 = arith.addi %mul3A_1009, %broadcast_in_dim3A_988 : vector<128x1xi32>
      %swap3A_1011 = arith.constant 0 : index
      %swap3A_1012 = arith.constant 10 : index
      %swap3A_1013 = vector.load %arg5[%swap3A_1011, %swap3A_1012] : memref<128x16xi32, #tpu.memory_space<vmem>>, vector<128x1xi32>
      tpu.vector_store %arg5[%swap3A_1011, %swap3A_1012], %add3A_1010 {strides = array<i32>} : memref<128x16xi32, #tpu.memory_space<vmem>>, vector<128x1xi32>,
      %convert_element_type3A_1014 = arith.extui %eq3A_990 : vector<128x1024xi1> to vector<128x1024xi32>
      %add3A_1015 = arith.addi %add3A_959, %convert_element_type3A_1014 : vector<128x1024xi32>
      %eq3A_1016 = arith.constant 0 : i32
      %eq3A_1017 = vector.broadcast %eq3A_1016 : i32 to vector<128x1024xi32>
      %eq3A_1018 = arith.cmpi eq, %add3A_1015, %eq3A_1017 : vector<128x1024xi32>
      %eq3A_1019 = arith.constant 1 : i32
      %eq3A_1020 = vector.broadcast %eq3A_1019 : i32 to vector<128x1024xi32>
      %eq3A_1021 = arith.cmpi eq, %add3A_1015, %eq3A_1020 : vector<128x1024xi32>
      %eq3A_1022 = arith.constant 2 : i32
      %eq3A_1023 = vector.broadcast %eq3A_1022 : i32 to vector<128x1024xi32>
      %eq3A_1024 = arith.cmpi eq, %add3A_1015, %eq3A_1023 : vector<128x1024xi32>
      %eq3A_1025 = arith.constant 3 : i32
      %eq3A_1026 = vector.broadcast %eq3A_1025 : i32 to vector<128x1024xi32>
      %eq3A_1027 = arith.cmpi eq, %add3A_1015, %eq3A_1026 : vector<128x1024xi32>
      %jit3A_1028 = arith.constant 1.000000e+30 : f32
      %broadcast_in_dim3A_1029 = vector.broadcast %jit3A_1028 : f32 to vector<128x1024xf32>
      %select_n3A_1030 = arith.select %eq3A_1027, %get3A_391, %broadcast_in_dim3A_1029 : vector<128x1024xi1>, vector<128x1024xf32>
      %select_n3A_1031 = arith.select %eq3A_1024, %get3A_388, %select_n3A_1030 : vector<128x1024xi1>, vector<128x1024xf32>
      %select_n3A_1032 = arith.select %eq3A_1021, %get3A_385, %select_n3A_1031 : vector<128x1024xi1>, vector<128x1024xf32>
      %select_n3A_1033 = arith.select %eq3A_1018, %get3A_382, %select_n3A_1032 : vector<128x1024xi1>, vector<128x1024xf32>
      %reduce_min3A_1034 = arith.constant dense<0x7F800000> : vector<128xf32>
      %reduce_min3A_1035 = vector.multi_reduction <minimumf>, %select_n3A_1033, %reduce_min3A_1034 [1] : vector<128x1024xf32> to vector<128xf32>
      %broadcast_in_dim3A_1036 = vector.shape_cast %reduce_min3A_1035 : vector<128xf32> to vector<128x1xf32>
      %eq3A_1037 = vector.broadcast %broadcast_in_dim3A_1036 : vector<128x1xf32> to vector<128x1024xf32>
      %eq3A_1038 = arith.cmpf oeq, %select_n3A_1033, %eq3A_1037 : vector<128x1024xf32>
      %jit3A_1039 = arith.constant 1024 : i32
      %broadcast_in_dim3A_1040 = vector.broadcast %jit3A_1039 : i32 to vector<128x1024xi32>
      %select_n3A_1041 = arith.select %eq3A_1038, %iota3A, %broadcast_in_dim3A_1040 : vector<128x1024xi1>, vector<128x1024xi32>
      %reduce_min3A_1042 = arith.constant dense<2147483647> : vector<128xi32>
      %reduce_min3A_1043 = vector.multi_reduction <minsi>, %select_n3A_1041, %reduce_min3A_1042 [1] : vector<128x1024xi32> to vector<128xi32>
      %broadcast_in_dim3A_1044 = vector.shape_cast %reduce_min3A_1043 : vector<128xi32> to vector<128x1xi32>
      %eq3A_1045 = vector.broadcast %broadcast_in_dim3A_1044 : vector<128x1xi32> to vector<128x1024xi32>
      %eq3A_1046 = arith.cmpi eq, %iota3A, %eq3A_1045 : vector<128x1024xi32>
      %bitcast_convert_type3A_1047 = tpu.bitcast %broadcast_in_dim3A_1036 : vector<128x1xf32> -> vector<128x1xi32>
      %and3A_1048 = arith.constant 127 : i32
      %and3A_1049 = vector.broadcast %and3A_1048 : i32 to vector<128x1xi32>
      %and3A_1050 = arith.andi %bitcast_convert_type3A_1047, %and3A_1049 : vector<128x1xi32>
      %and3A_1051 = arith.constant -128 : i32
      %and3A_1052 = vector.broadcast %and3A_1051 : i32 to vector<128x1xi32>
      %and3A_1053 = arith.andi %bitcast_convert_type3A_1047, %and3A_1052 : vector<128x1xi32>
      %bitcast_convert_type3A_1054 = tpu.bitcast %and3A_1053 : vector<128x1xi32> -> vector<128x1xf32>
      %add3A_1055 = arith.addf %bitcast_convert_type3A_1054, %mul3A_400 : vector<128x1xf32>
      %mul3A_1056 = arith.constant -5.000000e-01 : f32
      %mul3A_1057 = vector.broadcast %mul3A_1056 : f32 to vector<128x1xf32>
      %mul3A_1058 = arith.mulf %mul3A_1057, %add3A_1055 : vector<128x1xf32>
      %exp3A_1059 = math.exp %mul3A_1058 : vector<128x1xf32>
      %swap3A_1060 = arith.constant 0 : index
      %swap3A_1061 = arith.constant 11 : index
      %swap3A_1062 = vector.load %arg4[%swap3A_1060, %swap3A_1061] : memref<128x16xf32, #tpu.memory_space<vmem>>, vector<128x1xf32>
      tpu.vector_store %arg4[%swap3A_1060, %swap3A_1061], %exp3A_1059 {strides = array<i32>} : memref<128x16xf32, #tpu.memory_space<vmem>>, vector<128x1xf32>,
      %mul3A_1063 = arith.constant 1024 : i32
      %mul3A_1064 = vector.broadcast %mul3A_1063 : i32 to vector<128x1xi32>
      %mul3A_1065 = arith.muli %and3A_1050, %mul3A_1064 : vector<128x1xi32>
      %add3A_1066 = arith.addi %mul3A_1065, %broadcast_in_dim3A_1044 : vector<128x1xi32>
      %swap3A_1067 = arith.constant 0 : index
      %swap3A_1068 = arith.constant 11 : index
      %swap3A_1069 = vector.load %arg5[%swap3A_1067, %swap3A_1068] : memref<128x16xi32, #tpu.memory_space<vmem>>, vector<128x1xi32>
      tpu.vector_store %arg5[%swap3A_1067, %swap3A_1068], %add3A_1066 {strides = array<i32>} : memref<128x16xi32, #tpu.memory_space<vmem>>, vector<128x1xi32>,
      %convert_element_type3A_1070 = arith.extui %eq3A_1046 : vector<128x1024xi1> to vector<128x1024xi32>
      %add3A_1071 = arith.addi %add3A_1015, %convert_element_type3A_1070 : vector<128x1024xi32>
      %eq3A_1072 = arith.constant 0 : i32
      %eq3A_1073 = vector.broadcast %eq3A_1072 : i32 to vector<128x1024xi32>
      %eq3A_1074 = arith.cmpi eq, %add3A_1071, %eq3A_1073 : vector<128x1024xi32>
      %eq3A_1075 = arith.constant 1 : i32
      %eq3A_1076 = vector.broadcast %eq3A_1075 : i32 to vector<128x1024xi32>
      %eq3A_1077 = arith.cmpi eq, %add3A_1071, %eq3A_1076 : vector<128x1024xi32>
      %eq3A_1078 = arith.constant 2 : i32
      %eq3A_1079 = vector.broadcast %eq3A_1078 : i32 to vector<128x1024xi32>
      %eq3A_1080 = arith.cmpi eq, %add3A_1071, %eq3A_1079 : vector<128x1024xi32>
      %eq3A_1081 = arith.constant 3 : i32
      %eq3A_1082 = vector.broadcast %eq3A_1081 : i32 to vector<128x1024xi32>
      %eq3A_1083 = arith.cmpi eq, %add3A_1071, %eq3A_1082 : vector<128x1024xi32>
      %jit3A_1084 = arith.constant 1.000000e+30 : f32
      %broadcast_in_dim3A_1085 = vector.broadcast %jit3A_1084 : f32 to vector<128x1024xf32>
      %select_n3A_1086 = arith.select %eq3A_1083, %get3A_391, %broadcast_in_dim3A_1085 : vector<128x1024xi1>, vector<128x1024xf32>
      %select_n3A_1087 = arith.select %eq3A_1080, %get3A_388, %select_n3A_1086 : vector<128x1024xi1>, vector<128x1024xf32>
      %select_n3A_1088 = arith.select %eq3A_1077, %get3A_385, %select_n3A_1087 : vector<128x1024xi1>, vector<128x1024xf32>
      %select_n3A_1089 = arith.select %eq3A_1074, %get3A_382, %select_n3A_1088 : vector<128x1024xi1>, vector<128x1024xf32>
      %reduce_min3A_1090 = arith.constant dense<0x7F800000> : vector<128xf32>
      %reduce_min3A_1091 = vector.multi_reduction <minimumf>, %select_n3A_1089, %reduce_min3A_1090 [1] : vector<128x1024xf32> to vector<128xf32>
      %broadcast_in_dim3A_1092 = vector.shape_cast %reduce_min3A_1091 : vector<128xf32> to vector<128x1xf32>
      %eq3A_1093 = vector.broadcast %broadcast_in_dim3A_1092 : vector<128x1xf32> to vector<128x1024xf32>
      %eq3A_1094 = arith.cmpf oeq, %select_n3A_1089, %eq3A_1093 : vector<128x1024xf32>
      %jit3A_1095 = arith.constant 1024 : i32
      %broadcast_in_dim3A_1096 = vector.broadcast %jit3A_1095 : i32 to vector<128x1024xi32>
      %select_n3A_1097 = arith.select %eq3A_1094, %iota3A, %broadcast_in_dim3A_1096 : vector<128x1024xi1>, vector<128x1024xi32>
      %reduce_min3A_1098 = arith.constant dense<2147483647> : vector<128xi32>
      %reduce_min3A_1099 = vector.multi_reduction <minsi>, %select_n3A_1097, %reduce_min3A_1098 [1] : vector<128x1024xi32> to vector<128xi32>
      %broadcast_in_dim3A_1100 = vector.shape_cast %reduce_min3A_1099 : vector<128xi32> to vector<128x1xi32>
      %eq3A_1101 = vector.broadcast %broadcast_in_dim3A_1100 : vector<128x1xi32> to vector<128x1024xi32>
      %eq3A_1102 = arith.cmpi eq, %iota3A, %eq3A_1101 : vector<128x1024xi32>
      %bitcast_convert_type3A_1103 = tpu.bitcast %broadcast_in_dim3A_1092 : vector<128x1xf32> -> vector<128x1xi32>
      %and3A_1104 = arith.constant 127 : i32
      %and3A_1105 = vector.broadcast %and3A_1104 : i32 to vector<128x1xi32>
      %and3A_1106 = arith.andi %bitcast_convert_type3A_1103, %and3A_1105 : vector<128x1xi32>
      %and3A_1107 = arith.constant -128 : i32
      %and3A_1108 = vector.broadcast %and3A_1107 : i32 to vector<128x1xi32>
      %and3A_1109 = arith.andi %bitcast_convert_type3A_1103, %and3A_1108 : vector<128x1xi32>
      %bitcast_convert_type3A_1110 = tpu.bitcast %and3A_1109 : vector<128x1xi32> -> vector<128x1xf32>
      %add3A_1111 = arith.addf %bitcast_convert_type3A_1110, %mul3A_400 : vector<128x1xf32>
      %mul3A_1112 = arith.constant -5.000000e-01 : f32
      %mul3A_1113 = vector.broadcast %mul3A_1112 : f32 to vector<128x1xf32>
      %mul3A_1114 = arith.mulf %mul3A_1113, %add3A_1111 : vector<128x1xf32>
      %exp3A_1115 = math.exp %mul3A_1114 : vector<128x1xf32>
      %swap3A_1116 = arith.constant 0 : index
      %swap3A_1117 = arith.constant 12 : index
      %swap3A_1118 = vector.load %arg4[%swap3A_1116, %swap3A_1117] : memref<128x16xf32, #tpu.memory_space<vmem>>, vector<128x1xf32>
      tpu.vector_store %arg4[%swap3A_1116, %swap3A_1117], %exp3A_1115 {strides = array<i32>} : memref<128x16xf32, #tpu.memory_space<vmem>>, vector<128x1xf32>,
      %mul3A_1119 = arith.constant 1024 : i32
      %mul3A_1120 = vector.broadcast %mul3A_1119 : i32 to vector<128x1xi32>
      %mul3A_1121 = arith.muli %and3A_1106, %mul3A_1120 : vector<128x1xi32>
      %add3A_1122 = arith.addi %mul3A_1121, %broadcast_in_dim3A_1100 : vector<128x1xi32>
      %swap3A_1123 = arith.constant 0 : index
      %swap3A_1124 = arith.constant 12 : index
      %swap3A_1125 = vector.load %arg5[%swap3A_1123, %swap3A_1124] : memref<128x16xi32, #tpu.memory_space<vmem>>, vector<128x1xi32>
      tpu.vector_store %arg5[%swap3A_1123, %swap3A_1124], %add3A_1122 {strides = array<i32>} : memref<128x16xi32, #tpu.memory_space<vmem>>, vector<128x1xi32>,
      %convert_element_type3A_1126 = arith.extui %eq3A_1102 : vector<128x1024xi1> to vector<128x1024xi32>
      %add3A_1127 = arith.addi %add3A_1071, %convert_element_type3A_1126 : vector<128x1024xi32>
      %eq3A_1128 = arith.constant 0 : i32
      %eq3A_1129 = vector.broadcast %eq3A_1128 : i32 to vector<128x1024xi32>
      %eq3A_1130 = arith.cmpi eq, %add3A_1127, %eq3A_1129 : vector<128x1024xi32>
      %eq3A_1131 = arith.constant 1 : i32
      %eq3A_1132 = vector.broadcast %eq3A_1131 : i32 to vector<128x1024xi32>
      %eq3A_1133 = arith.cmpi eq, %add3A_1127, %eq3A_1132 : vector<128x1024xi32>
      %eq3A_1134 = arith.constant 2 : i32
      %eq3A_1135 = vector.broadcast %eq3A_1134 : i32 to vector<128x1024xi32>
      %eq3A_1136 = arith.cmpi eq, %add3A_1127, %eq3A_1135 : vector<128x1024xi32>
      %eq3A_1137 = arith.constant 3 : i32
      %eq3A_1138 = vector.broadcast %eq3A_1137 : i32 to vector<128x1024xi32>
      %eq3A_1139 = arith.cmpi eq, %add3A_1127, %eq3A_1138 : vector<128x1024xi32>
      %jit3A_1140 = arith.constant 1.000000e+30 : f32
      %broadcast_in_dim3A_1141 = vector.broadcast %jit3A_1140 : f32 to vector<128x1024xf32>
      %select_n3A_1142 = arith.select %eq3A_1139, %get3A_391, %broadcast_in_dim3A_1141 : vector<128x1024xi1>, vector<128x1024xf32>
      %select_n3A_1143 = arith.select %eq3A_1136, %get3A_388, %select_n3A_1142 : vector<128x1024xi1>, vector<128x1024xf32>
      %select_n3A_1144 = arith.select %eq3A_1133, %get3A_385, %select_n3A_1143 : vector<128x1024xi1>, vector<128x1024xf32>
      %select_n3A_1145 = arith.select %eq3A_1130, %get3A_382, %select_n3A_1144 : vector<128x1024xi1>, vector<128x1024xf32>
      %reduce_min3A_1146 = arith.constant dense<0x7F800000> : vector<128xf32>
      %reduce_min3A_1147 = vector.multi_reduction <minimumf>, %select_n3A_1145, %reduce_min3A_1146 [1] : vector<128x1024xf32> to vector<128xf32>
      %broadcast_in_dim3A_1148 = vector.shape_cast %reduce_min3A_1147 : vector<128xf32> to vector<128x1xf32>
      %eq3A_1149 = vector.broadcast %broadcast_in_dim3A_1148 : vector<128x1xf32> to vector<128x1024xf32>
      %eq3A_1150 = arith.cmpf oeq, %select_n3A_1145, %eq3A_1149 : vector<128x1024xf32>
      %jit3A_1151 = arith.constant 1024 : i32
      %broadcast_in_dim3A_1152 = vector.broadcast %jit3A_1151 : i32 to vector<128x1024xi32>
      %select_n3A_1153 = arith.select %eq3A_1150, %iota3A, %broadcast_in_dim3A_1152 : vector<128x1024xi1>, vector<128x1024xi32>
      %reduce_min3A_1154 = arith.constant dense<2147483647> : vector<128xi32>
      %reduce_min3A_1155 = vector.multi_reduction <minsi>, %select_n3A_1153, %reduce_min3A_1154 [1] : vector<128x1024xi32> to vector<128xi32>
      %broadcast_in_dim3A_1156 = vector.shape_cast %reduce_min3A_1155 : vector<128xi32> to vector<128x1xi32>
      %eq3A_1157 = vector.broadcast %broadcast_in_dim3A_1156 : vector<128x1xi32> to vector<128x1024xi32>
      %eq3A_1158 = arith.cmpi eq, %iota3A, %eq3A_1157 : vector<128x1024xi32>
      %bitcast_convert_type3A_1159 = tpu.bitcast %broadcast_in_dim3A_1148 : vector<128x1xf32> -> vector<128x1xi32>
      %and3A_1160 = arith.constant 127 : i32
      %and3A_1161 = vector.broadcast %and3A_1160 : i32 to vector<128x1xi32>
      %and3A_1162 = arith.andi %bitcast_convert_type3A_1159, %and3A_1161 : vector<128x1xi32>
      %and3A_1163 = arith.constant -128 : i32
      %and3A_1164 = vector.broadcast %and3A_1163 : i32 to vector<128x1xi32>
      %and3A_1165 = arith.andi %bitcast_convert_type3A_1159, %and3A_1164 : vector<128x1xi32>
      %bitcast_convert_type3A_1166 = tpu.bitcast %and3A_1165 : vector<128x1xi32> -> vector<128x1xf32>
      %add3A_1167 = arith.addf %bitcast_convert_type3A_1166, %mul3A_400 : vector<128x1xf32>
      %mul3A_1168 = arith.constant -5.000000e-01 : f32
      %mul3A_1169 = vector.broadcast %mul3A_1168 : f32 to vector<128x1xf32>
      %mul3A_1170 = arith.mulf %mul3A_1169, %add3A_1167 : vector<128x1xf32>
      %exp3A_1171 = math.exp %mul3A_1170 : vector<128x1xf32>
      %swap3A_1172 = arith.constant 0 : index
      %swap3A_1173 = arith.constant 13 : index
      %swap3A_1174 = vector.load %arg4[%swap3A_1172, %swap3A_1173] : memref<128x16xf32, #tpu.memory_space<vmem>>, vector<128x1xf32>
      tpu.vector_store %arg4[%swap3A_1172, %swap3A_1173], %exp3A_1171 {strides = array<i32>} : memref<128x16xf32, #tpu.memory_space<vmem>>, vector<128x1xf32>,
      %mul3A_1175 = arith.constant 1024 : i32
      %mul3A_1176 = vector.broadcast %mul3A_1175 : i32 to vector<128x1xi32>
      %mul3A_1177 = arith.muli %and3A_1162, %mul3A_1176 : vector<128x1xi32>
      %add3A_1178 = arith.addi %mul3A_1177, %broadcast_in_dim3A_1156 : vector<128x1xi32>
      %swap3A_1179 = arith.constant 0 : index
      %swap3A_1180 = arith.constant 13 : index
      %swap3A_1181 = vector.load %arg5[%swap3A_1179, %swap3A_1180] : memref<128x16xi32, #tpu.memory_space<vmem>>, vector<128x1xi32>
      tpu.vector_store %arg5[%swap3A_1179, %swap3A_1180], %add3A_1178 {strides = array<i32>} : memref<128x16xi32, #tpu.memory_space<vmem>>, vector<128x1xi32>,
      %convert_element_type3A_1182 = arith.extui %eq3A_1158 : vector<128x1024xi1> to vector<128x1024xi32>
      %add3A_1183 = arith.addi %add3A_1127, %convert_element_type3A_1182 : vector<128x1024xi32>
      %eq3A_1184 = arith.constant 0 : i32
      %eq3A_1185 = vector.broadcast %eq3A_1184 : i32 to vector<128x1024xi32>
      %eq3A_1186 = arith.cmpi eq, %add3A_1183, %eq3A_1185 : vector<128x1024xi32>
      %eq3A_1187 = arith.constant 1 : i32
      %eq3A_1188 = vector.broadcast %eq3A_1187 : i32 to vector<128x1024xi32>
      %eq3A_1189 = arith.cmpi eq, %add3A_1183, %eq3A_1188 : vector<128x1024xi32>
      %eq3A_1190 = arith.constant 2 : i32
      %eq3A_1191 = vector.broadcast %eq3A_1190 : i32 to vector<128x1024xi32>
      %eq3A_1192 = arith.cmpi eq, %add3A_1183, %eq3A_1191 : vector<128x1024xi32>
      %eq3A_1193 = arith.constant 3 : i32
      %eq3A_1194 = vector.broadcast %eq3A_1193 : i32 to vector<128x1024xi32>
      %eq3A_1195 = arith.cmpi eq, %add3A_1183, %eq3A_1194 : vector<128x1024xi32>
      %jit3A_1196 = arith.constant 1.000000e+30 : f32
      %broadcast_in_dim3A_1197 = vector.broadcast %jit3A_1196 : f32 to vector<128x1024xf32>
      %select_n3A_1198 = arith.select %eq3A_1195, %get3A_391, %broadcast_in_dim3A_1197 : vector<128x1024xi1>, vector<128x1024xf32>
      %select_n3A_1199 = arith.select %eq3A_1192, %get3A_388, %select_n3A_1198 : vector<128x1024xi1>, vector<128x1024xf32>
      %select_n3A_1200 = arith.select %eq3A_1189, %get3A_385, %select_n3A_1199 : vector<128x1024xi1>, vector<128x1024xf32>
      %select_n3A_1201 = arith.select %eq3A_1186, %get3A_382, %select_n3A_1200 : vector<128x1024xi1>, vector<128x1024xf32>
      %reduce_min3A_1202 = arith.constant dense<0x7F800000> : vector<128xf32>
      %reduce_min3A_1203 = vector.multi_reduction <minimumf>, %select_n3A_1201, %reduce_min3A_1202 [1] : vector<128x1024xf32> to vector<128xf32>
      %broadcast_in_dim3A_1204 = vector.shape_cast %reduce_min3A_1203 : vector<128xf32> to vector<128x1xf32>
      %eq3A_1205 = vector.broadcast %broadcast_in_dim3A_1204 : vector<128x1xf32> to vector<128x1024xf32>
      %eq3A_1206 = arith.cmpf oeq, %select_n3A_1201, %eq3A_1205 : vector<128x1024xf32>
      %jit3A_1207 = arith.constant 1024 : i32
      %broadcast_in_dim3A_1208 = vector.broadcast %jit3A_1207 : i32 to vector<128x1024xi32>
      %select_n3A_1209 = arith.select %eq3A_1206, %iota3A, %broadcast_in_dim3A_1208 : vector<128x1024xi1>, vector<128x1024xi32>
      %reduce_min3A_1210 = arith.constant dense<2147483647> : vector<128xi32>
      %reduce_min3A_1211 = vector.multi_reduction <minsi>, %select_n3A_1209, %reduce_min3A_1210 [1] : vector<128x1024xi32> to vector<128xi32>
      %broadcast_in_dim3A_1212 = vector.shape_cast %reduce_min3A_1211 : vector<128xi32> to vector<128x1xi32>
      %eq3A_1213 = vector.broadcast %broadcast_in_dim3A_1212 : vector<128x1xi32> to vector<128x1024xi32>
      %eq3A_1214 = arith.cmpi eq, %iota3A, %eq3A_1213 : vector<128x1024xi32>
      %bitcast_convert_type3A_1215 = tpu.bitcast %broadcast_in_dim3A_1204 : vector<128x1xf32> -> vector<128x1xi32>
      %and3A_1216 = arith.constant 127 : i32
      %and3A_1217 = vector.broadcast %and3A_1216 : i32 to vector<128x1xi32>
      %and3A_1218 = arith.andi %bitcast_convert_type3A_1215, %and3A_1217 : vector<128x1xi32>
      %and3A_1219 = arith.constant -128 : i32
      %and3A_1220 = vector.broadcast %and3A_1219 : i32 to vector<128x1xi32>
      %and3A_1221 = arith.andi %bitcast_convert_type3A_1215, %and3A_1220 : vector<128x1xi32>
      %bitcast_convert_type3A_1222 = tpu.bitcast %and3A_1221 : vector<128x1xi32> -> vector<128x1xf32>
      %add3A_1223 = arith.addf %bitcast_convert_type3A_1222, %mul3A_400 : vector<128x1xf32>
      %mul3A_1224 = arith.constant -5.000000e-01 : f32
      %mul3A_1225 = vector.broadcast %mul3A_1224 : f32 to vector<128x1xf32>
      %mul3A_1226 = arith.mulf %mul3A_1225, %add3A_1223 : vector<128x1xf32>
      %exp3A_1227 = math.exp %mul3A_1226 : vector<128x1xf32>
      %swap3A_1228 = arith.constant 0 : index
      %swap3A_1229 = arith.constant 14 : index
      %swap3A_1230 = vector.load %arg4[%swap3A_1228, %swap3A_1229] : memref<128x16xf32, #tpu.memory_space<vmem>>, vector<128x1xf32>
      tpu.vector_store %arg4[%swap3A_1228, %swap3A_1229], %exp3A_1227 {strides = array<i32>} : memref<128x16xf32, #tpu.memory_space<vmem>>, vector<128x1xf32>,
      %mul3A_1231 = arith.constant 1024 : i32
      %mul3A_1232 = vector.broadcast %mul3A_1231 : i32 to vector<128x1xi32>
      %mul3A_1233 = arith.muli %and3A_1218, %mul3A_1232 : vector<128x1xi32>
      %add3A_1234 = arith.addi %mul3A_1233, %broadcast_in_dim3A_1212 : vector<128x1xi32>
      %swap3A_1235 = arith.constant 0 : index
      %swap3A_1236 = arith.constant 14 : index
      %swap3A_1237 = vector.load %arg5[%swap3A_1235, %swap3A_1236] : memref<128x16xi32, #tpu.memory_space<vmem>>, vector<128x1xi32>
      tpu.vector_store %arg5[%swap3A_1235, %swap3A_1236], %add3A_1234 {strides = array<i32>} : memref<128x16xi32, #tpu.memory_space<vmem>>, vector<128x1xi32>,
      %convert_element_type3A_1238 = arith.extui %eq3A_1214 : vector<128x1024xi1> to vector<128x1024xi32>
      %add3A_1239 = arith.addi %add3A_1183, %convert_element_type3A_1238 : vector<128x1024xi32>
      %eq3A_1240 = arith.constant 0 : i32
      %eq3A_1241 = vector.broadcast %eq3A_1240 : i32 to vector<128x1024xi32>
      %eq3A_1242 = arith.cmpi eq, %add3A_1239, %eq3A_1241 : vector<128x1024xi32>
      %eq3A_1243 = arith.constant 1 : i32
      %eq3A_1244 = vector.broadcast %eq3A_1243 : i32 to vector<128x1024xi32>
      %eq3A_1245 = arith.cmpi eq, %add3A_1239, %eq3A_1244 : vector<128x1024xi32>
      %eq3A_1246 = arith.constant 2 : i32
      %eq3A_1247 = vector.broadcast %eq3A_1246 : i32 to vector<128x1024xi32>
      %eq3A_1248 = arith.cmpi eq, %add3A_1239, %eq3A_1247 : vector<128x1024xi32>
      %eq3A_1249 = arith.constant 3 : i32
      %eq3A_1250 = vector.broadcast %eq3A_1249 : i32 to vector<128x1024xi32>
      %eq3A_1251 = arith.cmpi eq, %add3A_1239, %eq3A_1250 : vector<128x1024xi32>
      %jit3A_1252 = arith.constant 1.000000e+30 : f32
      %broadcast_in_dim3A_1253 = vector.broadcast %jit3A_1252 : f32 to vector<128x1024xf32>
      %select_n3A_1254 = arith.select %eq3A_1251, %get3A_391, %broadcast_in_dim3A_1253 : vector<128x1024xi1>, vector<128x1024xf32>
      %select_n3A_1255 = arith.select %eq3A_1248, %get3A_388, %select_n3A_1254 : vector<128x1024xi1>, vector<128x1024xf32>
      %select_n3A_1256 = arith.select %eq3A_1245, %get3A_385, %select_n3A_1255 : vector<128x1024xi1>, vector<128x1024xf32>
      %select_n3A_1257 = arith.select %eq3A_1242, %get3A_382, %select_n3A_1256 : vector<128x1024xi1>, vector<128x1024xf32>
      %reduce_min3A_1258 = arith.constant dense<0x7F800000> : vector<128xf32>
      %reduce_min3A_1259 = vector.multi_reduction <minimumf>, %select_n3A_1257, %reduce_min3A_1258 [1] : vector<128x1024xf32> to vector<128xf32>
      %broadcast_in_dim3A_1260 = vector.shape_cast %reduce_min3A_1259 : vector<128xf32> to vector<128x1xf32>
      %eq3A_1261 = vector.broadcast %broadcast_in_dim3A_1260 : vector<128x1xf32> to vector<128x1024xf32>
      %eq3A_1262 = arith.cmpf oeq, %select_n3A_1257, %eq3A_1261 : vector<128x1024xf32>
      %jit3A_1263 = arith.constant 1024 : i32
      %broadcast_in_dim3A_1264 = vector.broadcast %jit3A_1263 : i32 to vector<128x1024xi32>
      %select_n3A_1265 = arith.select %eq3A_1262, %iota3A, %broadcast_in_dim3A_1264 : vector<128x1024xi1>, vector<128x1024xi32>
      %reduce_min3A_1266 = arith.constant dense<2147483647> : vector<128xi32>
      %reduce_min3A_1267 = vector.multi_reduction <minsi>, %select_n3A_1265, %reduce_min3A_1266 [1] : vector<128x1024xi32> to vector<128xi32>
      %broadcast_in_dim3A_1268 = vector.shape_cast %reduce_min3A_1267 : vector<128xi32> to vector<128x1xi32>
      %bitcast_convert_type3A_1269 = tpu.bitcast %broadcast_in_dim3A_1260 : vector<128x1xf32> -> vector<128x1xi32>
      %and3A_1270 = arith.constant 127 : i32
      %and3A_1271 = vector.broadcast %and3A_1270 : i32 to vector<128x1xi32>
      %and3A_1272 = arith.andi %bitcast_convert_type3A_1269, %and3A_1271 : vector<128x1xi32>
      %and3A_1273 = arith.constant -128 : i32
      %and3A_1274 = vector.broadcast %and3A_1273 : i32 to vector<128x1xi32>
      %and3A_1275 = arith.andi %bitcast_convert_type3A_1269, %and3A_1274 : vector<128x1xi32>
      %bitcast_convert_type3A_1276 = tpu.bitcast %and3A_1275 : vector<128x1xi32> -> vector<128x1xf32>
      %add3A_1277 = arith.addf %bitcast_convert_type3A_1276, %mul3A_400 : vector<128x1xf32>
      %mul3A_1278 = arith.constant -5.000000e-01 : f32
      %mul3A_1279 = vector.broadcast %mul3A_1278 : f32 to vector<128x1xf32>
      %mul3A_1280 = arith.mulf %mul3A_1279, %add3A_1277 : vector<128x1xf32>
      %exp3A_1281 = math.exp %mul3A_1280 : vector<128x1xf32>
      %swap3A_1282 = arith.constant 0 : index
      %swap3A_1283 = arith.constant 15 : index
      %swap3A_1284 = vector.load %arg4[%swap3A_1282, %swap3A_1283] : memref<128x16xf32, #tpu.memory_space<vmem>>, vector<128x1xf32>
      tpu.vector_store %arg4[%swap3A_1282, %swap3A_1283], %exp3A_1281 {strides = array<i32>} : memref<128x16xf32, #tpu.memory_space<vmem>>, vector<128x1xf32>,
      %mul3A_1285 = arith.constant 1024 : i32
      %mul3A_1286 = vector.broadcast %mul3A_1285 : i32 to vector<128x1xi32>
      %mul3A_1287 = arith.muli %and3A_1272, %mul3A_1286 : vector<128x1xi32>
      %add3A_1288 = arith.addi %mul3A_1287, %broadcast_in_dim3A_1268 : vector<128x1xi32>
      %swap3A_1289 = arith.constant 0 : index
      %swap3A_1290 = arith.constant 15 : index
      %swap3A_1291 = vector.load %arg5[%swap3A_1289, %swap3A_1290] : memref<128x16xi32, #tpu.memory_space<vmem>>, vector<128x1xi32>
      tpu.vector_store %arg5[%swap3A_1289, %swap3A_1290], %add3A_1288 {strides = array<i32>} : memref<128x16xi32, #tpu.memory_space<vmem>>, vector<128x1xi32>,
    } else {
    }
    return
  }
  func.func @transform_0(%arg0: i32, %arg1: i32) -> (i32, i32) {
    %c0_i32 = arith.constant 0 : i32
    %c0_i32_0 = arith.constant 0 : i32
    return %arg0, %c0_i32 : i32, i32
  }
  func.func @transform_1(%arg0: i32, %arg1: i32) -> (i32, i32) {
    %c0_i32 = arith.constant 0 : i32
    %c0_i32_0 = arith.constant 0 : i32
    return %c0_i32, %arg1 : i32, i32
  }
  func.func @transform_2(%arg0: i32, %arg1: i32) -> (i32, i32) {
    %c0_i32 = arith.constant 0 : i32
    %c0_i32_0 = arith.constant 0 : i32
    return %arg0, %c0_i32 : i32, i32
  }
  func.func @transform_3(%arg0: i32, %arg1: i32) -> (i32, i32) {
    %c0_i32 = arith.constant 0 : i32
    %c0_i32_0 = arith.constant 0 : i32
    return %arg0, %c0_i32 : i32, i32
  }
}

</mosaic_0001>

<sc_bundles>
// kernel: kernel.4.cloned.1.call-start
scs
__scs_entry_jumppad:
0x0: {  	(pc) =	sbr.rel $0x88, $3  }
0x1: {  	(tag) =	ssettag $0x0;
	lr =	simm.s32 $0x1  }
0x2: {  	[smem:$0x3F9E] =	sst lr;
	_ =	strace $0xD0000000  }
0x3: {  	_ = 	snop  }
0x4: {  	_ = 	snop  }
0x5: {  	_ = 	snop  }
0x6: {  	_ = 	snop  }
0x7: {  	_ = 	snop  }
__scs_overlays_trampoline_lowered:
0x8: {  	[smem:$0x3FAD] =	sst s0  }
0x9: {  	[smem:$0x3FAE] =	sst s1  }
0xa: {  	[smem:$0x3FAF] =	sst s2  }
0xb: {  	[smem:$0x3FB0] =	sst s3  }
0xc: {  	[smem:$0x3FB1] =	sst s4  }
0xd: {  	[smem:$0x3FB2] =	sst s5  }
0xe: {  	[smem:$0x3FB3] =	sst s6  }
0xf: {  	[smem:$0x3FB4] =	sst s7  }
0x10: {  	[smem:$0x3FB5] =	sst s8  }
0x11: {  	[smem:$0x3FB6] =	sst s9;
	s0 =	simm.s32 @!p0 $0x0  }
0x12: {  	s1 =	sld [smem:$0x3F9C];
	s0 =	simm.s32 @p0 $0x1  }
0x13: {  	[smem:$0x3FB7] =	sst s0;
	s0 =	simm.s32 @!p1 $0x0  }
0x14: {  	s2 =	sld [smem:$0x3F9B];
	s0 =	simm.s32 @p1 $0x1  }
0x15: {  	[smem:$0x3FB8] =	sst s0;
	s0 =	simm.s32 @!p2 $0x0  }
0x16: {  	s3 =	sld [smem:$0x3FDB];
	s0 =	simm.s32 @p2 $0x1  }
0x17: {  	s4 =	simm.s32 $0x1BF5;
	[smem:$0x3FBA] =	sst s0  }
0x18: {  	s0 =	sld [smem:$0x3F9D];
	_ =	swait.ge [sflag:s4], $0x0  }
0x19: {  	s7 =	sld [smem:$0x3F9E]  }
0x1a: {  	s8 =	sadd.s32 $0xFFFFE003, lr  }
0x1b: {  	s9 =	sadd.s32 $0xFFFFFEF7, lr;
	s5 =	simm.s32 $0xFFFFFFFF;
	p2 =	slt.u32 s8, $0xFFFFF086  }
0x1c: {  	p1 =	slt.u32 s9, $0xF7A;
	s5 =	simm.s32 @!p2 $0x0  }
0x1d: {  	s5 =	simm.s32 @p1 $0x1;
	p0 =	seq.s32 s7, s2  }
0x1e: {  	s7 =	smul.u32 @!p0 $0xF7A, s2;
	p2 =	seq.s32 @!p0 s5, $0x0  }
0x1f: {  	s9 =	smul.u32 $0xF7A, s1;
	s8 =	simm.s32 @!p0 $0x1BF5;
	p2 =	por !p2, p0  }
0x20: {  	[sflag:s8] =	ssyncset.s32 @!p0 $0xFFFFF086;
	s6 =	sadd.s32 @!p0 s3, s7;
	s7 =	simm.s32 @!p0 $0x108  }
0x21: {  	s3 =	sadd.s32 s3, s9;
	s6 =	sadd.s32 @!p0 $0x88, s6;
	s7 =	simm.s32 @p2 $0x1082  }
0x22: {  	[simem:s7], [sflag:s8] =	dma.local @!p0 [hbm:s6], $0xF7A  }
0x23: {  	s9 =	sor.u32 $0xD0000000, s2;
	s6 =	simm.s32 $0x108;
	_ =	swait.ge @!p0 [sflag:s8], $0x0  }
0x24: {  	s3 =	sadd.s32 $0x88, s3;
	s6 =	simm.s32 @!p1 $0x1082;
	[sflag:s4] =	ssyncset.s32 $0xFFFFF086  }
0x25: {  	[simem:s6], [sflag:s4] =	dma.local [hbm:s3], $0xF7A  }
0x26: {  	[smem:$0x3F9E] =	sst s1;
	(tag) =	ssettag s2;
	_ =	strace s9  }
0x27: {  	s1 =	sld [smem:$0x3FAE]  }
0x28: {  	s2 =	sld [smem:$0x3FAF]  }
0x29: {  	s4 =	sld [smem:$0x3FB1]  }
0x2a: {  	p0 =	seq.s32 s5, $0x0;
	s5 =	sld [smem:$0x3FB2]  }
0x2b: {  	s6 =	sld [smem:$0x3FB3]  }
0x2c: {  	s7 =	sld [smem:$0x3FB4]  }
0x2d: {  	s3 =	simm.s32 $0x108;
	s8 =	sld [smem:$0x3FB5]  }
0x2e: {  	s3 =	simm.s32 @!p0 $0x1082;
	s9 =	sld [smem:$0x3FB6]  }
0x2f: {  	lr =	sadd.s32 s0, s3;
	s0 =	sld [smem:$0x3FAD]  }
0x30: {  	s3 =	sld [smem:$0x3FB0]  }
0x31: {  	[smem:$0x3FB9] =	sst s10  }
0x32: {  	s10 =	sld [smem:$0x3FB7];
	_ =	sdelay $0x3  }
0x33: {  	p0 =	seq.s32 s10, $0x1;
	s10 =	sld [smem:$0x3FB9];
	_ =	sdelay $0x3  }
0x34: {  	[smem:$0x3FB9] =	sst s10  }
0x35: {  	s10 =	sld [smem:$0x3FB8];
	_ =	sdelay $0x3  }
0x36: {  	p1 =	seq.s32 s10, $0x1;
	s10 =	sld [smem:$0x3FB9];
	_ =	sdelay $0x3  }
0x37: {  	[smem:$0x3FB9] =	sst s10  }
0x38: {  	s10 =	sld [smem:$0x3FBA]  }
0x39: {  	_ = 	snop;
	(pc) =	sbr.ind lr, $3  }
0x3a: {  	_ = 	snop  }
0x3b: {  	_ = 	snop  }
0x3c: {  	p2 =	seq.s32 s10, $0x1;
	s10 =	sld [smem:$0x3FB9]  }
0x3d: {  	_ =	shalt  }
0x3e: {  	_ =	shalt  }
0x3f: {  	_ =	shalt  }
0x40: {  	_ =	shalt  }
0x41: {  	_ =	shalt  }
0x42: {  	_ =	shalt  }
0x43: {  	_ =	shalt  }
0x44: {  	_ =	shalt  }
0x45: {  	_ =	shalt  }
0x46: {  	_ =	shalt  }
0x47: {  	_ =	shalt  }
0x48: {  	_ =	shalt  }
0x49: {  	_ =	shalt  }
0x4a: {  	_ =	shalt  }
0x4b: {  	_ =	shalt  }
0x4c: {  	_ =	shalt  }
0x4d: {  	_ =	shalt  }
0x4e: {  	_ =	shalt  }
0x4f: {  	_ =	shalt  }
0x50: {  	_ =	shalt  }
0x51: {  	_ =	shalt  }
0x52: {  	_ =	shalt  }
0x53: {  	_ =	shalt  }
0x54: {  	_ =	shalt  }
0x55: {  	_ =	shalt  }
0x56: {  	_ =	shalt  }
0x57: {  	_ =	shalt  }
0x58: {  	_ =	shalt  }
0x59: {  	_ =	shalt  }
0x5a: {  	_ =	shalt  }
0x5b: {  	_ =	shalt  }
0x5c: {  	_ =	shalt  }
0x5d: {  	_ =	shalt  }
0x5e: {  	_ =	shalt  }
0x5f: {  	_ =	shalt  }
0x60: {  	_ =	shalt  }
0x61: {  	_ =	shalt  }
0x62: {  	_ =	shalt  }
0x63: {  	_ =	shalt  }
0x64: {  	_ =	shalt  }
0x65: {  	_ =	shalt  }
0x66: {  	_ =	shalt  }
0x67: {  	_ =	shalt  }
0x68: {  	_ =	shalt  }
0x69: {  	_ =	shalt  }
0x6a: {  	_ =	shalt  }
0x6b: {  	_ =	shalt  }
0x6c: {  	_ =	shalt  }
0x6d: {  	_ =	shalt  }
0x6e: {  	_ =	shalt  }
0x6f: {  	_ =	shalt  }
0x70: {  	_ =	shalt  }
0x71: {  	_ =	shalt  }
0x72: {  	_ =	shalt  }
0x73: {  	_ =	shalt  }
0x74: {  	_ =	shalt  }
0x75: {  	_ =	shalt  }
0x76: {  	_ =	shalt  }
0x77: {  	_ =	shalt  }
0x78: {  	_ =	shalt  }
0x79: {  	_ =	shalt  }
0x7a: {  	_ =	shalt  }
0x7b: {  	_ =	shalt  }
0x7c: {  	_ =	shalt  }
0x7d: {  	_ =	shalt  }
0x7e: {  	_ =	shalt  }
0x7f: {  	_ =	shalt  }
0x80: {  	_ =	shalt  }
0x81: {  	_ =	shalt  }
0x82: {  	_ =	shalt  }
0x83: {  	_ =	shalt  }
0x84: {  	_ =	shalt  }
0x85: {  	_ =	shalt  }
0x86: {  	_ =	shalt  }
0x87: {  	_ =	shalt  }
.Lfunc_end0:
.L_simem_size_0:
called_computation_lowered:
.L_overlay_start_0:
0x88: {  	s2 =	sld [smem:$0x3FD9]  }
0x89: {  	s3 =	sld [smem:$0x3FFE];
	_ =	sdelay $0x1  }
0x8a: {  	s1 =	srdreg.scid  }
0x8b: {  	s0 =	sand.u32 $0x1, s1  }
0x8c: {  	s17 =	sshll.u32 s0, $0xA;
	s2 =	sadd.s32 s3, s2  }
0x8d: {  	s2 =	sadd.s32 s2, s17  }
0x8e: {  	[smem:$0x3FC5] =	sst s2  }
0x8f: {  	_ = 	snop  }
0x90: {  	s2 =	sld [smem:$0x3FD0];
	(tm) =	ssettm $0x1  }
0x91: {  	s18 =	sld [smem:$0x3FFB];
	_ =	sdelay $0x3  }
0x92: {  	_ =	strace s18  }
0x93: {  	s3 =	sld [smem:$0x3FFC];
	_ =	sdelay $0x3  }
0x94: {  	_ =	strace s3  }
0x95: {  	s3 =	sld [smem:$0x3FFD];
	_ =	sdelay $0x3  }
0x96: {  	_ =	strace s3  }
0x97: {  	_ =	strace $0x8FFFFFFF  }
0x98: {  	s19 =	sld [smem:$0x3FDB];
	_ =	sdelay $0x1  }
0x99: {  	s4 =	simm.s32 $_scs_section_size  }
0x9a: {  	s5 =	simm.s32 $_size__tile_overlayer_lowered;
	s6 =	simm.s32 $_tile_overlayer_lowered  }
0x9b: {  	s22 =	simm.s32 $0x1BFF;
	s21 =	sshll.u32 s6, $0x1;
	s3 =	sadd.s32 s4, s19  }
0x9c: {  	s7 =	simm.s32 $0x0;
	s20 =	sshll.u32 s5, $0x1;
	s5 =	sadd.s32 s21, s3  }
0x9d: {  	[timem:s7], [sflag:s22] =	dma.local [hbm:s5], s20  }
0x9e: {  	_ =	swait.ge [sflag:s22], s20  }
0x9f: {  	s4 =	ssub.s32 $0x0, s20;
	[sflag:s22] =	ssyncset.done $0x0  }
0xa0: {  	[sflag:s22] =	ssyncadd.s32 s4;
	_ =	sdelay $0x1  }
0xa1: {  	s23 =	simm.s32 $0x1B8B  }
0xa2: {  	_ =	swait.ge [sflag:s23], $0x1  }
0xa3: {  	[sflag:s23] =	ssyncset.done $0x0  }
0xa4: {  	s25 =	simm.s32 $0x1B8E;
	s24 =	sld [smem:$0x3FFE];
	[sflag:s23] =	ssyncadd.s32 $0xFFFFFFFF  }
0xa5: {  	s26 =	simm.s32 $execute0_lowered;
	[smem:$0x3FD2] =	sst s25  }
0xa6: {  	s5 =	sshll.u32 s26, $0x1;
	_ =	strace $0x80000046;
	[dreg:$0x1] =	wrdreg $0xFFFFFFFF  }
0xa7: {  	s28 =	simm.s32 $_size_execute0_lowered;
	s3 =	sadd.s32 s3, s5;
	[dreg:$0x0] =	wrdreg $0x0  }
0xa8: {  	s5 =	sshll.u32 s28, $0x1;
	[dreg:$0x2] =	wrdreg s3  }
0xa9: {  	[dreg:$0x3] =	wrdreg s5  }
0xaa: {  	[dreg:$0x4] =	wrdreg $0xC0  }
0xab: {  	_ =	task [dreg:s7], $0x5FFFF  }
0xac: {  	[dreg:$0x1] =	wrdreg $0xFFFFFFFF  }
0xad: {  	[dreg:$0x0] =	wrdreg $0x60  }
0xae: {  	[dreg:$0x2] =	wrdreg s24  }
0xaf: {  	[dreg:$0x3] =	wrdreg s2  }
0xb0: {  	[dreg:$0x4] =	wrdreg $0x9  }
0xb1: {  	_ =	task.clear_ibuf [dreg:s7], $0x5FFFF;
	_ =	strace $0x90000046  }
0xb2: {  	s29 =	simm.s32 $0x9;
	_ =	strace $0x80000048  }
0xb3: {  	_ =	swait.ge [sflag:s29], $0x1  }
0xb4: {  	[sflag:s29] =	ssyncadd.s32 $0xFFFFFFFF  }
0xb5: {  	_ =	strace $0x90000048  }
0xb6: {  	_ =	sfence  }
0xb7: {  	s30 =	sld [smem:$0x0];
	_ =	sdelay $0x2  }
0xb8: {  	s31 =	sshll.u32 s1, $0xD;
	s1 =	sshrl.u32 s1, $0x2  }
0xb9: {  	s3 =	sand.u32 $0x4000, s31;
	s1 =	sadd.s32 s1, s30  }
0xba: {  	s0 =	sor.u32 s3, s0;
	s1 =	sshll.u32 s1, $0x11  }
0xbb: {  	s0 =	sor.u32 s1, s0  }
0xbc: {  	s0 =	sadd.s32 $0x8F2B, s0  }
0xbd: {  	[sflag:s0] =	ssyncadd.remote.s32 $0x1  }
0xbe: {  	_ =	sfence.sel $0xFFFF  }
0xbf: {  	[dreg:$0x0] =	wrdreg $0xFFFFFFFF;
	(pc) =	sbr.abs _section_cstart, $3  }
0xc0: {  	[dreg:$0x1] =	wrdreg $0xFFFFFFFF  }
0xc1: {  	_ =	task.clear_ibuf [dreg:s7], $0x2FFFF;
	_ =	strace $0x9FFFFFFF  }
0xc2: {  	(tm) =	ssettm $0x7FFFFFFF  }
0xc3: {  	_ =	shalt  }
tec
execute0_lowered:
.L_overlay_start_1:
0x0: {  	(tag) =	ssettag $0x1  }
0x1: {  	s4 =	rddreg [dreg:$0x0]  }
0x2: {  	s6 =	rddreg [dreg:$0x1]  }
0x3: {  	s0 =	rddreg [dreg:$0x2];
	s2 =	simm.s32 $0x0;
	s3 =	srdreg.scid  }
0x4: {  	s1 =	stileid.u32;
	s11 =	simm.s32 $0xA200;
	s12 =	simm.s32 $0x0  }
0x5: {  	[smem:$0x7FF] =	sst s2;
	s5 =	sand.u32 $0x1, s3;
	s31 =	sshll.u32 s1, $0x1  }
0x6: {  	s3 =	sadd.s32 $0x187000, s4;
	_ =	strace $0x80000047;
	s7 =	sor.u32 s5, s31  }
0x7: {  	s5 =	ssub.s32 $0x2, s5;
	s8 =	sshll.u32 s7, $0x6;
	s9 =	sshll.u32 s7, $0xA  }
0x8: {  	s10 =	sshrl.u32 s5, $0x1;
	s7 =	sshll.u32 s7, $0x8;
	s8 =	sadd.s32 s8, s4  }
0x9: {  	s9 =	sadd.s32 s9, s4;
	s10 =	ssub.s32 s5, s10;
	s6 =	sadd.s32 s6, s7  }
0xa: {  	s4 =	sadd.s32 $0x600, s8;
	s5 =	sadd.s32 $0xE00, s9;
	s7 =	smax.u32 s10, $0x1  }
0xb: {  	s8 =	simm.s32 $0x2;
	s9 =	simm.s32 $0x2200;
	s10 =	simm.s32 $0x1  }
.LBB2_1:
0xc: {  	[tilespmem:s2], [sflag:$0x2] =	stream.linear.gather [hbm4b:s4+s2], $0x200, $0x38;
	[tilespmem:$0xAA00] =	vst v63  }
0xd: {  	_ =	swait.ge [sflag:s8], $0x200  }
0xe: {  	[sflag:s8] =	ssyncset.done $0x0  }
0xf: {  	s13 =	simm.s32 $0x200;
	[sflag:s8] =	ssyncadd.s32 $0xFFFFFE00  }
0x10: {  	[tilespmem:s13], [sflag:$0x2] =	stream.linear.gather [hbm4b:s5+s2], $0x2000, $0x38;
	[tilespmem:$0xAA00] =	vst v63  }
0x11: {  	_ =	swait.ge [sflag:s8], $0x2000  }
0x12: {  	[sflag:s8] =	ssyncset.done $0x0  }
0x13: {  	[sflag:s8] =	ssyncadd.s32 $0xFFFFE000  }
0x14: {  	[tilespmem:s9], [sflag:$0x1] =	stream.indirect.gather [hbm4b:s3+s13], $0x40, s2, s13, $0xb8;
	[tilespmem:$0xAA00] =	vst v63  }
0x15: {  	_ =	swait.ge [sflag:s10], $0x8000  }
0x16: {  	[sflag:s10] =	ssyncset.done $0x0  }
0x17: {  	s14 =	simm.s32 $0x2220;
	s15 =	simm.s32 $0x0;
	[sflag:s10] =	ssyncadd.s32 $0xFFFF8000  }
.LBB2_2:
0x18: {  	v0 =	vmov s13;
	_ =	sdelay $0x2  }
0x19: {  	v2 =	vld [tilespmem:s14+$0x10]  }
0x1a: {  	s16 =	simm.s32 $0x0;
	v6 =	vld [tilespmem:s14+$0xFFFFFFE0]  }
0x1b: {  	v5 =	vld.idx.msk [tilespmem:v0+s16+$0x0 ss:$0x1], $0xffff  }
0x1c: {  	v7 =	vld [tilespmem:s14+$0xFFFFFFF0]  }
0x1d: {  	v9 =	vld [tilespmem:s14+$0x0]  }
0x1e: {  	s31 =	simm.s32 $0x10  }
0x1f: {  	v1 =	vld.idx.msk [tilespmem:v0+s31+$0x0 ss:$0x1], $0xffff;
	s16 =	sadd.s32 $0x40, s14  }
0x20: {  	v4 =	vld [tilespmem:s16+$0x10];
	v10 =	vmul.f32 v6, v5  }
0x21: {  	v3 =	vimm.f32 $0.0e+00;
	v2 =	vmul.f32 v2, v5;
	v6 =	vld [tilespmem:s16+$0xFFFFFFE0];
	v11 =	vmul.f32 v7, v5  }
0x22: {  	v8 =	vld [tilespmem:s16+$0xFFFFFFF0];
	v7 =	vadd.f32 v10, v3;
	v10 =	vmul.f32 v9, v5  }
0x23: {  	s17 =	simm.s32 $0x80;
	v2 =	vadd.f32 v2, v3;
	v9 =	vld [tilespmem:s16+$0x0];
	v5 =	vadd.f32 v11, v3  }
.LBB2_3:
0x24: {  	s18 =	sshra.s32 s17, $0x2;
	p0 =	sne.s32 s17, $0x3C0;
	s17 =	sadd.s32 $0x40, s17;
	v3 =	vadd.f32 v10, v3  }
.Ltmp0:
0x25: {  	s16 =	sadd.s32 $0x40, s16;
	v11 =	vmov v1;
	v10 =	vmul.f32 v4, v1;
	v1 =	vld.idx.msk [tilespmem:v0+s18+$0x0 ss:$0x1], $0xffff;
	(pc) =	sbr.rel @p0 .LBB2_3-.Ltmp0, $4  }
0x26: {  	v4 =	vld [tilespmem:s16+$0x10];
	v12 =	vmul.f32 v6, v11  }
0x27: {  	v6 =	vld [tilespmem:s16+$0xFFFFFFE0];
	v13 =	vmul.f32 v8, v11;
	v2 =	vadd.f32 v10, v2  }
0x28: {  	v8 =	vld [tilespmem:s16+$0xFFFFFFF0];
	v7 =	vadd.f32 v12, v7;
	v10 =	vmul.f32 v9, v11  }
0x29: {  	v9 =	vld [tilespmem:s16+$0x0];
	v5 =	vadd.f32 v13, v5  }
0x2a: {  	_ = 	snop  }
0x2b: {  	v61 =	vmul.f32 v4, v1  }
0x2c: {  	s16 =	sshll.u32 s15, $0x6;
	s15 =	sadd.s32 $0x1, s15;
	v0 =	vmul.f32 v6, v1  }
0x2d: {  	p0 =	sne.s32 s15, $0x20;
	v59 =	vmul.f32 v8, v1;
	v63 =	vadd.f32 v61, v2  }
.Ltmp1:
0x2e: {  	v3 =	vadd.f32 v10, v3;
	s16 =	sand.u32 $0x3FFFFFC0, s16;
	v0 =	vadd.f32 v0, v7;
	v60 =	vmul.f32 v9, v1;
	(pc) =	sbr.rel @p0 .LBB2_2-.Ltmp1, $4  }
0x2f: {  	v62 =	vadd.f32 v59, v5;
	[tilespmem:s16+$0xA230] =	vst v63  }
0x30: {  	v3 =	vadd.f32 v60, v3;
	[tilespmem:s16+$0xA200] =	vst v0  }
0x31: {  	[tilespmem:s16+$0xA210] =	vst v62  }
0x32: {  	s13 =	sadd.s32 $0x100, s13;
	s14 =	sadd.s32 $0x400, s14;
	[tilespmem:s16+$0xA220] =	vst v3  }
0x33: {  	s12 =	sadd.s32 $0x1, s12  }
0x34: {  	p0 =	sne.s32 s12, s7  }
.Ltmp2:
0x35: {  	_ = 	snop;
	(pc) =	sbr.rel @p0 .LBB2_1-.Ltmp2, $4  }
0x36: {  	[hbm4b:s6+s2] =	stream.linear.scatter [tilespmem:s11], [sflag:$0x2], $0x800, $0x38;
	[tilespmem:$0xAA00] =	vst v63  }
0x37: {  	_ =	swait.ge [sflag:s8], $0x800  }
0x38: {  	[sflag:s8] =	ssyncset.done $0x0  }
0x39: {  	[sflag:s8] =	ssyncadd.s32 $0xFFFFF800  }
0x3a: {  	_ =	sfence.sel $0x180000  }
0x3b: {  	[bflag:$0x0] =	sbarrier.arrive $0xFFFF  }
0x3c: {  	p0 =	sne.s32 s1, $0x0;
	_ =	strace $0x90000047  }
0x3d: {  	s0 =	sadd.s32 @!p0 $0x100000, s0;
	[bflag:$0x2] =	sbarrier.arrive $0xFFFF  }
0x3e: {  	[sflag:s0] =	ssyncadd.tile.s32 @!p0 $0x1;
	_ =	shalt  }
.Lfunc_end2:
_tile_overlayer_lowered:
.L_overlay_start_2:
0x3f: {  	(tag) =	ssettag $0x2  }
0x40: {  	s0 =	rddreg [dreg:$0x0];
	s2 =	stileid.u32  }
0x41: {  	s1 =	rddreg [dreg:$0x1];
	p0 =	sne.s32 s2, $0x0  }
0x42: {  	s3 =	rddreg [dreg:$0x2];
	[bflag:$0x3] =	sbarrier.arrive $0xFFFF;
	s2 =	simm.s32 @!p0 $0x1C02  }
0x43: {  	[timem:s3], [sflag:s2] =	dma.local @!p0 [hbm:s0], s1  }
0x44: {  	s0 =	simm.s32 @!p0 $0x2  }
0x45: {  	_ =	swait.ge @!p0 [sflag:s0], s1  }
0x46: {  	s1 =	ssub.s32 @!p0 $0x0, s1;
	[sflag:s0] =	ssyncset.done @!p0 $0x0  }
0x47: {  	[sflag:s0] =	ssyncadd.s32 @!p0 s1  }
0x48: {  	[bflag:$0x3] =	sbarrier.arrive $0xFFFF  }
0x49: {  	_ =	shalt  }

</sc_bundles>
